<compile_context>
chip_gen: v7x
topology: tpu7x:2x2x1
jax: 0.10.2.dev20260603
libtpu: 0.0.44.dev20260713+nightly
codegen_flags: <defaults>
</compile_context>

<pallas_src>
import functools

import jax
import jax.numpy as jnp
from jax import lax
from jax.experimental import pallas as pl
from jax.experimental.pallas import tpu as pltpu
from jax.experimental.pallas import tpu_sc as plsc

CB = 8192
D = 256
BM = 512
CHUNKS = (2736, 2736, 2720)
COMMIT = 0.25

NC = 2
NS = 16
NW = NC * NS
GCHUNK = 128

def _dist_argmin_body(x_ref, e_ref, idx_ref):
    x = x_ref[...]
    xb = x.astype(jnp.bfloat16)
    x_norm = jnp.sum(x * x, axis=1, keepdims=True)

    gv = jnp.full((BM, 1), jnp.inf, dtype=jnp.float32)
    gi = jnp.full((BM, 1), 2**31 - 1, dtype=jnp.int32)
    off = 0
    for csize in CHUNKS:
        e = e_ref[pl.ds(off, csize), :]
        eb = (-2.0 * e).astype(jnp.bfloat16)
        dot2 = lax.dot_general(xb, eb, (((1,), (1,)), ((), ())),
                               preferred_element_type=jnp.float32)
        e_norm = jnp.sum(e * e, axis=1)[None, :]
        dist = (x_norm + e_norm) + dot2
        cv = jnp.min(dist, axis=1, keepdims=True)
        ci = jnp.argmin(dist, axis=1)[:, None].astype(jnp.int32) + off
        take = (cv < gv) | ((cv == gv) & (ci < gi))
        gv = jnp.where(take, cv.astype(jnp.bfloat16).astype(jnp.float32), gv)
        gi = jnp.where(take, ci, gi)
        off += csize
    idx_ref[...] = gi


def _loss_body(x_ref, q_ref, loss_ref):
    diff = q_ref[...] - x_ref[...]
    loss_ref[...] = (1.0 + COMMIT) * jnp.sum(diff * diff, axis=1,
                                             keepdims=True)


def _gather_body(nch, table, idxs, out, idx_v, rows_v, sem):
    wid = lax.axis_index("s") * NC + lax.axis_index("c")
    pltpu.sync_copy(idxs.at[wid], idx_v)
    for c in range(nch):
        pltpu.async_copy(table.at[idx_v.at[c]], rows_v, sem).wait()
        pltpu.sync_copy(rows_v, out.at[pl.ds((wid * nch + c) * GCHUNK, GCHUNK)])


def _gather_rows(embedding, idx):
    m = idx.shape[0]
    nch = (m // NW) // GCHUNK
    idx3 = idx.reshape(NW, nch, GCHUNK)
    mesh = plsc.VectorSubcoreMesh(core_axis_name="c", subcore_axis_name="s")
    return pl.kernel(
        functools.partial(_gather_body, nch),
        out_type=jax.ShapeDtypeStruct((m, D), jnp.float32),
        mesh=mesh,
        scratch_types=[
            pltpu.VMEM((nch, GCHUNK), jnp.int32),
            pltpu.VMEM((GCHUNK, D), jnp.float32),
            pltpu.SemaphoreType.DMA,
        ],
    )(embedding, idx3)


def kernel(inputs, embedding):
    input_shape = inputs.shape
    x = inputs.reshape(-1, D)
    m = x.shape[0]
    idx2 = pl.pallas_call(
        _dist_argmin_body,
        grid=(m // BM,),
        in_specs=[
            pl.BlockSpec((BM, D), lambda i: (i, 0)),
            pl.BlockSpec((CB, D), lambda i: (0, 0)),
        ],
        out_specs=pl.BlockSpec((BM, 1), lambda i: (i, 0)),
        out_shape=jax.ShapeDtypeStruct((m, 1), jnp.int32),
    )(x, embedding)
    idx = idx2.reshape(m)
    quantized = _gather_rows(embedding, idx)
    loss2 = pl.pallas_call(
        _loss_body,
        grid=(m // BM,),
        in_specs=[
            pl.BlockSpec((BM, D), lambda i: (i, 0)),
            pl.BlockSpec((BM, D), lambda i: (i, 0)),
        ],
        out_specs=pl.BlockSpec((BM, 1), lambda i: (i, 0)),
        out_shape=jax.ShapeDtypeStruct((m, 1), jnp.float32),
    )(x, quantized)
    return (quantized.reshape(input_shape),
            idx.reshape(input_shape[:-1]),
            loss2.reshape(input_shape[:-1]))

# --- scband reference (transcript-rebuilt; emitter-appended) ---
"""Pipeline reference for scband-product-vector-quantizer-30339648979486 (READ-ONLY COPY).

The authoritative reference and input builder live on the scoring server;
editing this copy changes nothing except your own understanding.
"""

import jax, jax.numpy as jnp
import numpy as np

CODEBOOK_SIZE = 8192
CODEBOOK_DIM = 256
COMMITMENT_COST = 0.25


def setup_inputs(seed: int = 0) -> dict:
    key = jax.random.key(seed)
    k1, k2 = jax.random.split(key)
    inputs = jax.random.normal(k1, (16, 1024, CODEBOOK_DIM), dtype=jnp.float32)
    embedding = jax.random.normal(k2, (CODEBOOK_SIZE, CODEBOOK_DIM), dtype=jnp.float32) * 4.0
    return {"inputs": inputs, "embedding": embedding}


def reference(inputs, embedding):
    input_shape = inputs.shape
    flat_input = inputs.reshape(-1, CODEBOOK_DIM)
    # squared L2 distances: ||x||^2 + ||e||^2 - 2 x e^T
    distances = (
        jnp.sum(flat_input ** 2, axis=1, keepdims=True)
        + jnp.sum(embedding ** 2, axis=1)[None, :]
        - 2.0 * jnp.matmul(flat_input, embedding.T)
    )
    encoding_indices = jnp.argmin(distances, axis=1)
    # one-hot @ embedding  ==  gather rows of embedding
    quantized = jnp.take(embedding, encoding_indices, axis=0).reshape(input_shape)
    # squared_l2_norm=True branch of _loss
    e_latent_loss = jnp.sum((jax.lax.stop_gradient(quantized) - inputs) ** 2, axis=-1)
    q_latent_loss = jnp.sum((quantized - jax.lax.stop_gradient(inputs)) ** 2, axis=-1)
    quantization_loss = q_latent_loss + COMMITMENT_COST * e_latent_loss
    # straight-through estimator
    quantized_sg = inputs + jax.lax.stop_gradient(quantized - inputs)
    encoding_indices_out = encoding_indices.reshape(input_shape[:-1])
    return (quantized_sg, encoding_indices_out, quantization_loss)

if __name__ == "__main__":
    import jax
    _d = setup_inputs()
    print(jax.jit(kernel)(*tuple(_d.values())))

</pallas_src>

<mosaic_0001>
#map = affine_map<(d0, d1) -> (0, 0)>
#map1 = affine_map<(d0, d1) -> (0, 0, 0)>
module attributes {stable_mosaic.version = 14 : i64} {
  func.func @_gather_body(%arg0: i32, %arg1: i32, %arg2: memref<8192x256xf32, #tpu.memory_space<hbm>>, %arg3: memref<32x4x128xi32, #tpu.memory_space<hbm>>, %arg4: memref<16384x256xf32, #tpu.memory_space<hbm>>, %arg5: memref<4x128xi32, #tpu.memory_space<vmem>>, %arg6: memref<128x256xf32, #tpu.memory_space<vmem>>, %arg7: memref<!tpu.dma_semaphore, #tpu.memory_space<semaphore_mem>>) attributes {dimension_semantics = [#tpu.dimension_semantics<core_parallel>, #tpu.dimension_semantics<subcore_parallel>], iteration_bounds = array<i64: 2, 16>, scalar_prefetch = 0 : i64, scratch_operands = 3 : i64, tpu.core_type = #tpu.core_type<sc_vector_subcore>, window_params = [{transform_indices = #map}, {transform_indices = #map1}, {transform_indices = #map}]} {
    %mul3A = arith.constant 2 : i32
    %mul3A_0 = arith.muli %arg1, %mul3A : i32
    %add3A = arith.addi %mul3A_0, %arg0 : i32
    "tpu.region"() ({
      %run_scoped3A = tpu.sem_alloc : memref<!tpu.dma_semaphore, #tpu.memory_space<semaphore_mem>>
      %dma_start3A_79 = arith.constant 0 : i32
      %dma_start3A_80 = arith.constant 0 : i32
      %dma_start3A_81 = tpu.memref_slice %arg3[%add3A, %dma_start3A_79, %dma_start3A_80] : memref<32x4x128xi32, #tpu.memory_space<hbm>> -> memref<1x4x128xi32, #tpu.memory_space<hbm>>
      %dma_start3A_82 = tpu.memref_squeeze %dma_start3A_81 : memref<1x4x128xi32, #tpu.memory_space<hbm>> -> memref<4x128xi32, #tpu.memory_space<hbm>>
      %dma_start3A_83 = arith.constant 0 : i32
      %dma_start3A_84 = arith.constant 0 : i32
      %dma_start3A_85 = tpu.memref_slice %arg3[%add3A, %dma_start3A_83, %dma_start3A_84] : memref<32x4x128xi32, #tpu.memory_space<hbm>> -> memref<1x4x128xi32, #tpu.memory_space<hbm>>
      %dma_start3A_86 = tpu.memref_squeeze %dma_start3A_85 : memref<1x4x128xi32, #tpu.memory_space<hbm>> -> memref<4x128xi32, #tpu.memory_space<hbm>>
      tpu.enqueue_dma source(%dma_start3A_86 : memref<4x128xi32, #tpu.memory_space<hbm>>) target(%arg5 : memref<4x128xi32, #tpu.memory_space<vmem>>) target_semaphore(%run_scoped3A : memref<!tpu.dma_semaphore, #tpu.memory_space<semaphore_mem>>)
      %dma_wait3A_87 = arith.constant 0 : i32
      %dma_wait3A_88 = arith.constant 0 : i32
      %dma_wait3A_89 = tpu.memref_slice %arg3[%add3A, %dma_wait3A_87, %dma_wait3A_88] : memref<32x4x128xi32, #tpu.memory_space<hbm>> -> memref<1x4x128xi32, #tpu.memory_space<hbm>>
      %dma_wait3A_90 = tpu.memref_squeeze %dma_wait3A_89 : memref<1x4x128xi32, #tpu.memory_space<hbm>> -> memref<4x128xi32, #tpu.memory_space<hbm>>
      %dma_wait3A_91 = arith.constant 0 : i32
      %dma_wait3A_92 = arith.constant 0 : i32
      %dma_wait3A_93 = tpu.memref_slice %arg3[%add3A, %dma_wait3A_91, %dma_wait3A_92] : memref<32x4x128xi32, #tpu.memory_space<hbm>> -> memref<1x4x128xi32, #tpu.memory_space<hbm>>
      %dma_wait3A_94 = tpu.memref_squeeze %dma_wait3A_93 : memref<1x4x128xi32, #tpu.memory_space<hbm>> -> memref<4x128xi32, #tpu.memory_space<hbm>>
      tpu.wait_dma2 semaphore(%run_scoped3A : memref<!tpu.dma_semaphore, #tpu.memory_space<semaphore_mem>>) src(%dma_wait3A_94 : memref<4x128xi32, #tpu.memory_space<hbm>>) dst(%arg5 : memref<4x128xi32, #tpu.memory_space<vmem>>)
      tpu.yield
    }) : () -> ()
    %dma_start3A = arith.constant 0 : i32
    %dma_start3A_1 = arith.constant 0 : i32
    %dma_start3A_2 = tpu.memref_slice %arg5[%dma_start3A, %dma_start3A_1] : memref<4x128xi32, #tpu.memory_space<vmem>> -> memref<1x128xi32, #tpu.memory_space<vmem>>
    %dma_start3A_3 = tpu.memref_squeeze %dma_start3A_2 : memref<1x128xi32, #tpu.memory_space<vmem>> -> memref<128xi32, #tpu.memory_space<vmem>>
    %dma_start3A_4 = arith.constant 0 : i32
    %dma_start3A_5 = arith.constant 0 : i32
    %dma_start3A_6 = tpu.memref_slice %arg2[%dma_start3A_4, %dma_start3A_5] : memref<8192x256xf32, #tpu.memory_space<hbm>> -> memref<8192x256xf32, #tpu.memory_space<hbm>>
    tpu.enqueue_indirect_dma source(%dma_start3A_6 : memref<8192x256xf32, #tpu.memory_space<hbm>>) target(%arg6 : memref<128x256xf32, #tpu.memory_space<vmem>>) offsets(%dma_start3A_3 : memref<128xi32, #tpu.memory_space<vmem>>) semaphore(%arg7 : memref<!tpu.dma_semaphore, #tpu.memory_space<semaphore_mem>>)
    %dma_wait3A = arith.constant 0 : i32
    %dma_wait3A_7 = arith.constant 0 : i32
    %dma_wait3A_8 = tpu.memref_slice %arg5[%dma_wait3A, %dma_wait3A_7] : memref<4x128xi32, #tpu.memory_space<vmem>> -> memref<1x128xi32, #tpu.memory_space<vmem>>
    %dma_wait3A_9 = tpu.memref_squeeze %dma_wait3A_8 : memref<1x128xi32, #tpu.memory_space<vmem>> -> memref<128xi32, #tpu.memory_space<vmem>>
    %dma_wait3A_10 = arith.constant 0 : i32
    %dma_wait3A_11 = arith.constant 0 : i32
    %dma_wait3A_12 = tpu.memref_slice %arg2[%dma_wait3A_10, %dma_wait3A_11] : memref<8192x256xf32, #tpu.memory_space<hbm>> -> memref<8192x256xf32, #tpu.memory_space<hbm>>
    tpu.wait_indirect_dma semaphore(%arg7 : memref<!tpu.dma_semaphore, #tpu.memory_space<semaphore_mem>>) src(%dma_wait3A_12 : memref<8192x256xf32, #tpu.memory_space<hbm>>) dst(%arg6 : memref<128x256xf32, #tpu.memory_space<vmem>>)
    %mul3A_13 = arith.constant 4 : i32
    %mul3A_14 = arith.muli %add3A, %mul3A_13 : i32
    %add3A_15 = arith.constant 0 : i32
    %add3A_16 = arith.addi %mul3A_14, %add3A_15 : i32
    %mul3A_17 = arith.constant 128 : i32
    %mul3A_18 = arith.muli %add3A_16, %mul3A_17 : i32
    "tpu.region"() ({
      %run_scoped3A = tpu.sem_alloc : memref<!tpu.dma_semaphore, #tpu.memory_space<semaphore_mem>>
      %dma_start3A_79 = arith.constant 0 : i32
      %dma_start3A_80 = tpu.memref_slice %arg4[%mul3A_18, %dma_start3A_79] : memref<16384x256xf32, #tpu.memory_space<hbm>> -> memref<128x256xf32, #tpu.memory_space<hbm>>
      %dma_start3A_81 = arith.constant 0 : i32
      %dma_start3A_82 = tpu.memref_slice %arg4[%mul3A_18, %dma_start3A_81] : memref<16384x256xf32, #tpu.memory_space<hbm>> -> memref<128x256xf32, #tpu.memory_space<hbm>>
      tpu.enqueue_dma source(%arg6 : memref<128x256xf32, #tpu.memory_space<vmem>>) target(%dma_start3A_82 : memref<128x256xf32, #tpu.memory_space<hbm>>) target_semaphore(%run_scoped3A : memref<!tpu.dma_semaphore, #tpu.memory_space<semaphore_mem>>)
      %dma_wait3A_83 = arith.constant 0 : i32
      %dma_wait3A_84 = tpu.memref_slice %arg4[%mul3A_18, %dma_wait3A_83] : memref<16384x256xf32, #tpu.memory_space<hbm>> -> memref<128x256xf32, #tpu.memory_space<hbm>>
      %dma_wait3A_85 = arith.constant 0 : i32
      %dma_wait3A_86 = tpu.memref_slice %arg4[%mul3A_18, %dma_wait3A_85] : memref<16384x256xf32, #tpu.memory_space<hbm>> -> memref<128x256xf32, #tpu.memory_space<hbm>>
      tpu.wait_dma2 semaphore(%run_scoped3A : memref<!tpu.dma_semaphore, #tpu.memory_space<semaphore_mem>>) src(%arg6 : memref<128x256xf32, #tpu.memory_space<vmem>>) dst(%dma_wait3A_86 : memref<128x256xf32, #tpu.memory_space<hbm>>)
      tpu.yield
    }) : () -> ()
    %dma_start3A_19 = arith.constant 1 : i32
    %dma_start3A_20 = arith.constant 0 : i32
    %dma_start3A_21 = tpu.memref_slice %arg5[%dma_start3A_19, %dma_start3A_20] : memref<4x128xi32, #tpu.memory_space<vmem>> -> memref<1x128xi32, #tpu.memory_space<vmem>>
    %dma_start3A_22 = tpu.memref_squeeze %dma_start3A_21 : memref<1x128xi32, #tpu.memory_space<vmem>> -> memref<128xi32, #tpu.memory_space<vmem>>
    %dma_start3A_23 = arith.constant 0 : i32
    %dma_start3A_24 = arith.constant 0 : i32
    %dma_start3A_25 = tpu.memref_slice %arg2[%dma_start3A_23, %dma_start3A_24] : memref<8192x256xf32, #tpu.memory_space<hbm>> -> memref<8192x256xf32, #tpu.memory_space<hbm>>
    tpu.enqueue_indirect_dma source(%dma_start3A_25 : memref<8192x256xf32, #tpu.memory_space<hbm>>) target(%arg6 : memref<128x256xf32, #tpu.memory_space<vmem>>) offsets(%dma_start3A_22 : memref<128xi32, #tpu.memory_space<vmem>>) semaphore(%arg7 : memref<!tpu.dma_semaphore, #tpu.memory_space<semaphore_mem>>)
    %dma_wait3A_26 = arith.constant 1 : i32
    %dma_wait3A_27 = arith.constant 0 : i32
    %dma_wait3A_28 = tpu.memref_slice %arg5[%dma_wait3A_26, %dma_wait3A_27] : memref<4x128xi32, #tpu.memory_space<vmem>> -> memref<1x128xi32, #tpu.memory_space<vmem>>
    %dma_wait3A_29 = tpu.memref_squeeze %dma_wait3A_28 : memref<1x128xi32, #tpu.memory_space<vmem>> -> memref<128xi32, #tpu.memory_space<vmem>>
    %dma_wait3A_30 = arith.constant 0 : i32
    %dma_wait3A_31 = arith.constant 0 : i32
    %dma_wait3A_32 = tpu.memref_slice %arg2[%dma_wait3A_30, %dma_wait3A_31] : memref<8192x256xf32, #tpu.memory_space<hbm>> -> memref<8192x256xf32, #tpu.memory_space<hbm>>
    tpu.wait_indirect_dma semaphore(%arg7 : memref<!tpu.dma_semaphore, #tpu.memory_space<semaphore_mem>>) src(%dma_wait3A_32 : memref<8192x256xf32, #tpu.memory_space<hbm>>) dst(%arg6 : memref<128x256xf32, #tpu.memory_space<vmem>>)
    %mul3A_33 = arith.constant 4 : i32
    %mul3A_34 = arith.muli %add3A, %mul3A_33 : i32
    %add3A_35 = arith.constant 1 : i32
    %add3A_36 = arith.addi %mul3A_34, %add3A_35 : i32
    %mul3A_37 = arith.constant 128 : i32
    %mul3A_38 = arith.muli %add3A_36, %mul3A_37 : i32
    "tpu.region"() ({
      %run_scoped3A = tpu.sem_alloc : memref<!tpu.dma_semaphore, #tpu.memory_space<semaphore_mem>>
      %dma_start3A_79 = arith.constant 0 : i32
      %dma_start3A_80 = tpu.memref_slice %arg4[%mul3A_38, %dma_start3A_79] : memref<16384x256xf32, #tpu.memory_space<hbm>> -> memref<128x256xf32, #tpu.memory_space<hbm>>
      %dma_start3A_81 = arith.constant 0 : i32
      %dma_start3A_82 = tpu.memref_slice %arg4[%mul3A_38, %dma_start3A_81] : memref<16384x256xf32, #tpu.memory_space<hbm>> -> memref<128x256xf32, #tpu.memory_space<hbm>>
      tpu.enqueue_dma source(%arg6 : memref<128x256xf32, #tpu.memory_space<vmem>>) target(%dma_start3A_82 : memref<128x256xf32, #tpu.memory_space<hbm>>) target_semaphore(%run_scoped3A : memref<!tpu.dma_semaphore, #tpu.memory_space<semaphore_mem>>)
      %dma_wait3A_83 = arith.constant 0 : i32
      %dma_wait3A_84 = tpu.memref_slice %arg4[%mul3A_38, %dma_wait3A_83] : memref<16384x256xf32, #tpu.memory_space<hbm>> -> memref<128x256xf32, #tpu.memory_space<hbm>>
      %dma_wait3A_85 = arith.constant 0 : i32
      %dma_wait3A_86 = tpu.memref_slice %arg4[%mul3A_38, %dma_wait3A_85] : memref<16384x256xf32, #tpu.memory_space<hbm>> -> memref<128x256xf32, #tpu.memory_space<hbm>>
      tpu.wait_dma2 semaphore(%run_scoped3A : memref<!tpu.dma_semaphore, #tpu.memory_space<semaphore_mem>>) src(%arg6 : memref<128x256xf32, #tpu.memory_space<vmem>>) dst(%dma_wait3A_86 : memref<128x256xf32, #tpu.memory_space<hbm>>)
      tpu.yield
    }) : () -> ()
    %dma_start3A_39 = arith.constant 2 : i32
    %dma_start3A_40 = arith.constant 0 : i32
    %dma_start3A_41 = tpu.memref_slice %arg5[%dma_start3A_39, %dma_start3A_40] : memref<4x128xi32, #tpu.memory_space<vmem>> -> memref<1x128xi32, #tpu.memory_space<vmem>>
    %dma_start3A_42 = tpu.memref_squeeze %dma_start3A_41 : memref<1x128xi32, #tpu.memory_space<vmem>> -> memref<128xi32, #tpu.memory_space<vmem>>
    %dma_start3A_43 = arith.constant 0 : i32
    %dma_start3A_44 = arith.constant 0 : i32
    %dma_start3A_45 = tpu.memref_slice %arg2[%dma_start3A_43, %dma_start3A_44] : memref<8192x256xf32, #tpu.memory_space<hbm>> -> memref<8192x256xf32, #tpu.memory_space<hbm>>
    tpu.enqueue_indirect_dma source(%dma_start3A_45 : memref<8192x256xf32, #tpu.memory_space<hbm>>) target(%arg6 : memref<128x256xf32, #tpu.memory_space<vmem>>) offsets(%dma_start3A_42 : memref<128xi32, #tpu.memory_space<vmem>>) semaphore(%arg7 : memref<!tpu.dma_semaphore, #tpu.memory_space<semaphore_mem>>)
    %dma_wait3A_46 = arith.constant 2 : i32
    %dma_wait3A_47 = arith.constant 0 : i32
    %dma_wait3A_48 = tpu.memref_slice %arg5[%dma_wait3A_46, %dma_wait3A_47] : memref<4x128xi32, #tpu.memory_space<vmem>> -> memref<1x128xi32, #tpu.memory_space<vmem>>
    %dma_wait3A_49 = tpu.memref_squeeze %dma_wait3A_48 : memref<1x128xi32, #tpu.memory_space<vmem>> -> memref<128xi32, #tpu.memory_space<vmem>>
    %dma_wait3A_50 = arith.constant 0 : i32
    %dma_wait3A_51 = arith.constant 0 : i32
    %dma_wait3A_52 = tpu.memref_slice %arg2[%dma_wait3A_50, %dma_wait3A_51] : memref<8192x256xf32, #tpu.memory_space<hbm>> -> memref<8192x256xf32, #tpu.memory_space<hbm>>
    tpu.wait_indirect_dma semaphore(%arg7 : memref<!tpu.dma_semaphore, #tpu.memory_space<semaphore_mem>>) src(%dma_wait3A_52 : memref<8192x256xf32, #tpu.memory_space<hbm>>) dst(%arg6 : memref<128x256xf32, #tpu.memory_space<vmem>>)
    %mul3A_53 = arith.constant 4 : i32
    %mul3A_54 = arith.muli %add3A, %mul3A_53 : i32
    %add3A_55 = arith.constant 2 : i32
    %add3A_56 = arith.addi %mul3A_54, %add3A_55 : i32
    %mul3A_57 = arith.constant 128 : i32
    %mul3A_58 = arith.muli %add3A_56, %mul3A_57 : i32
    "tpu.region"() ({
      %run_scoped3A = tpu.sem_alloc : memref<!tpu.dma_semaphore, #tpu.memory_space<semaphore_mem>>
      %dma_start3A_79 = arith.constant 0 : i32
      %dma_start3A_80 = tpu.memref_slice %arg4[%mul3A_58, %dma_start3A_79] : memref<16384x256xf32, #tpu.memory_space<hbm>> -> memref<128x256xf32, #tpu.memory_space<hbm>>
      %dma_start3A_81 = arith.constant 0 : i32
      %dma_start3A_82 = tpu.memref_slice %arg4[%mul3A_58, %dma_start3A_81] : memref<16384x256xf32, #tpu.memory_space<hbm>> -> memref<128x256xf32, #tpu.memory_space<hbm>>
      tpu.enqueue_dma source(%arg6 : memref<128x256xf32, #tpu.memory_space<vmem>>) target(%dma_start3A_82 : memref<128x256xf32, #tpu.memory_space<hbm>>) target_semaphore(%run_scoped3A : memref<!tpu.dma_semaphore, #tpu.memory_space<semaphore_mem>>)
      %dma_wait3A_83 = arith.constant 0 : i32
      %dma_wait3A_84 = tpu.memref_slice %arg4[%mul3A_58, %dma_wait3A_83] : memref<16384x256xf32, #tpu.memory_space<hbm>> -> memref<128x256xf32, #tpu.memory_space<hbm>>
      %dma_wait3A_85 = arith.constant 0 : i32
      %dma_wait3A_86 = tpu.memref_slice %arg4[%mul3A_58, %dma_wait3A_85] : memref<16384x256xf32, #tpu.memory_space<hbm>> -> memref<128x256xf32, #tpu.memory_space<hbm>>
      tpu.wait_dma2 semaphore(%run_scoped3A : memref<!tpu.dma_semaphore, #tpu.memory_space<semaphore_mem>>) src(%arg6 : memref<128x256xf32, #tpu.memory_space<vmem>>) dst(%dma_wait3A_86 : memref<128x256xf32, #tpu.memory_space<hbm>>)
      tpu.yield
    }) : () -> ()
    %dma_start3A_59 = arith.constant 3 : i32
    %dma_start3A_60 = arith.constant 0 : i32
    %dma_start3A_61 = tpu.memref_slice %arg5[%dma_start3A_59, %dma_start3A_60] : memref<4x128xi32, #tpu.memory_space<vmem>> -> memref<1x128xi32, #tpu.memory_space<vmem>>
    %dma_start3A_62 = tpu.memref_squeeze %dma_start3A_61 : memref<1x128xi32, #tpu.memory_space<vmem>> -> memref<128xi32, #tpu.memory_space<vmem>>
    %dma_start3A_63 = arith.constant 0 : i32
    %dma_start3A_64 = arith.constant 0 : i32
    %dma_start3A_65 = tpu.memref_slice %arg2[%dma_start3A_63, %dma_start3A_64] : memref<8192x256xf32, #tpu.memory_space<hbm>> -> memref<8192x256xf32, #tpu.memory_space<hbm>>
    tpu.enqueue_indirect_dma source(%dma_start3A_65 : memref<8192x256xf32, #tpu.memory_space<hbm>>) target(%arg6 : memref<128x256xf32, #tpu.memory_space<vmem>>) offsets(%dma_start3A_62 : memref<128xi32, #tpu.memory_space<vmem>>) semaphore(%arg7 : memref<!tpu.dma_semaphore, #tpu.memory_space<semaphore_mem>>)
    %dma_wait3A_66 = arith.constant 3 : i32
    %dma_wait3A_67 = arith.constant 0 : i32
    %dma_wait3A_68 = tpu.memref_slice %arg5[%dma_wait3A_66, %dma_wait3A_67] : memref<4x128xi32, #tpu.memory_space<vmem>> -> memref<1x128xi32, #tpu.memory_space<vmem>>
    %dma_wait3A_69 = tpu.memref_squeeze %dma_wait3A_68 : memref<1x128xi32, #tpu.memory_space<vmem>> -> memref<128xi32, #tpu.memory_space<vmem>>
    %dma_wait3A_70 = arith.constant 0 : i32
    %dma_wait3A_71 = arith.constant 0 : i32
    %dma_wait3A_72 = tpu.memref_slice %arg2[%dma_wait3A_70, %dma_wait3A_71] : memref<8192x256xf32, #tpu.memory_space<hbm>> -> memref<8192x256xf32, #tpu.memory_space<hbm>>
    tpu.wait_indirect_dma semaphore(%arg7 : memref<!tpu.dma_semaphore, #tpu.memory_space<semaphore_mem>>) src(%dma_wait3A_72 : memref<8192x256xf32, #tpu.memory_space<hbm>>) dst(%arg6 : memref<128x256xf32, #tpu.memory_space<vmem>>)
    %mul3A_73 = arith.constant 4 : i32
    %mul3A_74 = arith.muli %add3A, %mul3A_73 : i32
    %add3A_75 = arith.constant 3 : i32
    %add3A_76 = arith.addi %mul3A_74, %add3A_75 : i32
    %mul3A_77 = arith.constant 128 : i32
    %mul3A_78 = arith.muli %add3A_76, %mul3A_77 : i32
    "tpu.region"() ({
      %run_scoped3A = tpu.sem_alloc : memref<!tpu.dma_semaphore, #tpu.memory_space<semaphore_mem>>
      %dma_start3A_79 = arith.constant 0 : i32
      %dma_start3A_80 = tpu.memref_slice %arg4[%mul3A_78, %dma_start3A_79] : memref<16384x256xf32, #tpu.memory_space<hbm>> -> memref<128x256xf32, #tpu.memory_space<hbm>>
      %dma_start3A_81 = arith.constant 0 : i32
      %dma_start3A_82 = tpu.memref_slice %arg4[%mul3A_78, %dma_start3A_81] : memref<16384x256xf32, #tpu.memory_space<hbm>> -> memref<128x256xf32, #tpu.memory_space<hbm>>
      tpu.enqueue_dma source(%arg6 : memref<128x256xf32, #tpu.memory_space<vmem>>) target(%dma_start3A_82 : memref<128x256xf32, #tpu.memory_space<hbm>>) target_semaphore(%run_scoped3A : memref<!tpu.dma_semaphore, #tpu.memory_space<semaphore_mem>>)
      %dma_wait3A_83 = arith.constant 0 : i32
      %dma_wait3A_84 = tpu.memref_slice %arg4[%mul3A_78, %dma_wait3A_83] : memref<16384x256xf32, #tpu.memory_space<hbm>> -> memref<128x256xf32, #tpu.memory_space<hbm>>
      %dma_wait3A_85 = arith.constant 0 : i32
      %dma_wait3A_86 = tpu.memref_slice %arg4[%mul3A_78, %dma_wait3A_85] : memref<16384x256xf32, #tpu.memory_space<hbm>> -> memref<128x256xf32, #tpu.memory_space<hbm>>
      tpu.wait_dma2 semaphore(%run_scoped3A : memref<!tpu.dma_semaphore, #tpu.memory_space<semaphore_mem>>) src(%arg6 : memref<128x256xf32, #tpu.memory_space<vmem>>) dst(%dma_wait3A_86 : memref<128x256xf32, #tpu.memory_space<hbm>>)
      tpu.yield
    }) : () -> ()
    return
  }
}

module attributes {stable_mosaic.version = 14 : i64} {
  func.func @_loss_body(%arg0: i32, %arg1: memref<512x256xf32, #tpu.memory_space<vmem>>, %arg2: memref<512x256xf32, #tpu.memory_space<vmem>>, %arg3: memref<512x1xf32, #tpu.memory_space<vmem>>) attributes {dimension_semantics = [#tpu.dimension_semantics<arbitrary>], iteration_bounds = array<i64: 32>, scalar_prefetch = 0 : i64, scratch_operands = 0 : i64, tpu.core_type = #tpu.core_type<tc>, window_params = [{transform_indices = @transform_0, window_bounds = array<i64: 512, 256>}, {transform_indices = @transform_1, window_bounds = array<i64: 512, 256>}, {transform_indices = @transform_2, window_bounds = array<i64: 512, 1>}]} {
    %get3A = arith.constant 0 : index
    %get3A_0 = arith.constant 0 : index
    %get3A_1 = vector.load %arg2[%get3A, %get3A_0] : memref<512x256xf32, #tpu.memory_space<vmem>>, vector<512x256xf32>
    %get3A_2 = arith.constant 0 : index
    %get3A_3 = arith.constant 0 : index
    %get3A_4 = vector.load %arg1[%get3A_2, %get3A_3] : memref<512x256xf32, #tpu.memory_space<vmem>>, vector<512x256xf32>
    %sub3A = arith.subf %get3A_1, %get3A_4 : vector<512x256xf32>
    %mul3A = arith.mulf %sub3A, %sub3A : vector<512x256xf32>
    %reduce_sum3A = arith.constant dense<0.000000e+00> : vector<512xf32>
    %reduce_sum3A_5 = vector.multi_reduction <add>, %mul3A, %reduce_sum3A [1] : vector<512x256xf32> to vector<512xf32>
    %broadcast_in_dim3A = vector.shape_cast %reduce_sum3A_5 : vector<512xf32> to vector<512x1xf32>
    %mul3A_6 = arith.constant 1.250000e+00 : f32
    %mul3A_7 = vector.broadcast %mul3A_6 : f32 to vector<512x1xf32>
    %mul3A_8 = arith.mulf %mul3A_7, %broadcast_in_dim3A : vector<512x1xf32>
    %swap3A = arith.constant 0 : index
    %swap3A_9 = arith.constant 0 : index
    %swap3A_10 = vector.load %arg3[%swap3A, %swap3A_9] : memref<512x1xf32, #tpu.memory_space<vmem>>, vector<512x1xf32>
    tpu.vector_store %arg3[%swap3A, %swap3A_9], %mul3A_8 {strides = array<i32>} : memref<512x1xf32, #tpu.memory_space<vmem>>, vector<512x1xf32>,
    return
  }
  func.func @transform_0(%arg0: i32) -> (i32, i32) {
    %c0_i32 = arith.constant 0 : i32
    %c0_i32_0 = arith.constant 0 : i32
    return %arg0, %c0_i32 : i32, i32
  }
  func.func @transform_1(%arg0: i32) -> (i32, i32) {
    %c0_i32 = arith.constant 0 : i32
    %c0_i32_0 = arith.constant 0 : i32
    return %arg0, %c0_i32 : i32, i32
  }
  func.func @transform_2(%arg0: i32) -> (i32, i32) {
    %c0_i32 = arith.constant 0 : i32
    %c0_i32_0 = arith.constant 0 : i32
    return %arg0, %c0_i32 : i32, i32
  }
}

module attributes {stable_mosaic.version = 14 : i64} {
  func.func @_dist_argmin_body(%arg0: i32, %arg1: memref<512x256xf32, #tpu.memory_space<vmem>>, %arg2: memref<8192x256xf32, #tpu.memory_space<vmem>>, %arg3: memref<512x1xi32, #tpu.memory_space<vmem>>) attributes {dimension_semantics = [#tpu.dimension_semantics<arbitrary>], iteration_bounds = array<i64: 32>, scalar_prefetch = 0 : i64, scratch_operands = 0 : i64, tpu.core_type = #tpu.core_type<tc>, window_params = [{transform_indices = @transform_0, window_bounds = array<i64: 512, 256>}, {pipeline_mode = #tpu.pipeline_mode<synchronous>, transform_indices = @transform_1, window_bounds = array<i64: 8192, 256>}, {transform_indices = @transform_2, window_bounds = array<i64: 512, 1>}]} {
    %get3A = arith.constant 0 : index
    %get3A_0 = arith.constant 0 : index
    %get3A_1 = vector.load %arg1[%get3A, %get3A_0] : memref<512x256xf32, #tpu.memory_space<vmem>>, vector<512x256xf32>
    %convert_element_type3A = arith.truncf %get3A_1 : vector<512x256xf32> to vector<512x256xbf16>
    %mul3A = arith.mulf %get3A_1, %get3A_1 : vector<512x256xf32>
    %reduce_sum3A = arith.constant dense<0.000000e+00> : vector<512xf32>
    %reduce_sum3A_2 = vector.multi_reduction <add>, %mul3A, %reduce_sum3A [1] : vector<512x256xf32> to vector<512xf32>
    %broadcast_in_dim3A = vector.shape_cast %reduce_sum3A_2 : vector<512xf32> to vector<512x1xf32>
    %broadcast_in_dim3A_3 = arith.constant 0x7F800000 : f32
    %broadcast_in_dim3A_4 = vector.broadcast %broadcast_in_dim3A_3 : f32 to vector<512x1xf32>
    %broadcast_in_dim3A_5 = arith.constant 2147483647 : i32
    %broadcast_in_dim3A_6 = vector.broadcast %broadcast_in_dim3A_5 : i32 to vector<512x1xi32>
    %get3A_7 = arith.constant 0 : index
    %get3A_8 = arith.constant 0 : index
    %get3A_9 = vector.load %arg2[%get3A_7, %get3A_8] : memref<8192x256xf32, #tpu.memory_space<vmem>>, vector<2736x256xf32>
    %mul3A_10 = arith.constant -2.000000e+00 : f32
    %mul3A_11 = vector.broadcast %mul3A_10 : f32 to vector<2736x256xf32>
    %mul3A_12 = arith.mulf %mul3A_11, %get3A_9 : vector<2736x256xf32>
    %convert_element_type3A_13 = arith.truncf %mul3A_12 : vector<2736x256xf32> to vector<2736x256xbf16>
    %dot_general3A = arith.constant dense<0.000000e+00> : vector<512x2736xf32>
    %dot_general3A_14 = tpu.matmul %convert_element_type3A, %convert_element_type3A_13, %dot_general3A {dimension_numbers = #tpu.dot_dimension_numbers<[1], [1], [0], [0], [0, 0, 1, 0], [], []>, transpose_lhs_hint = false} : vector<512x256xbf16>, vector<2736x256xbf16>, vector<512x2736xf32> -> vector<512x2736xf32>
    %mul3A_15 = arith.mulf %get3A_9, %get3A_9 : vector<2736x256xf32>
    %reduce_sum3A_16 = arith.constant dense<0.000000e+00> : vector<2736xf32>
    %reduce_sum3A_17 = vector.multi_reduction <add>, %mul3A_15, %reduce_sum3A_16 [1] : vector<2736x256xf32> to vector<2736xf32>
    %broadcast_in_dim3A_18 = vector.shape_cast %reduce_sum3A_17 : vector<2736xf32> to vector<1x2736xf32>
    %add3A = vector.broadcast %broadcast_in_dim3A : vector<512x1xf32> to vector<512x2736xf32>
    %add3A_19 = vector.broadcast %broadcast_in_dim3A_18 : vector<1x2736xf32> to vector<512x2736xf32>
    %add3A_20 = arith.addf %add3A, %add3A_19 : vector<512x2736xf32>
    %add3A_21 = arith.addf %add3A_20, %dot_general3A_14 : vector<512x2736xf32>
    %reduce_min3A = arith.constant dense<0x7F800000> : vector<512xf32>
    %reduce_min3A_22 = vector.multi_reduction <minimumf>, %add3A_21, %reduce_min3A [1] : vector<512x2736xf32> to vector<512xf32>
    %broadcast_in_dim3A_23 = vector.shape_cast %reduce_min3A_22 : vector<512xf32> to vector<512x1xf32>
    %argmin3A = tpu.reduce_index %add3A_21 {axis = 1 : i32, kind = #tpu.reduction_kind<arg_min>} : vector<512x2736xf32> -> vector<512xi32>
    %broadcast_in_dim3A_24 = vector.shape_cast %argmin3A : vector<512xi32> to vector<512x1xi32>
    %add3A_25 = arith.constant 0 : i32
    %add3A_26 = vector.broadcast %add3A_25 : i32 to vector<512x1xi32>
    %add3A_27 = arith.addi %broadcast_in_dim3A_24, %add3A_26 : vector<512x1xi32>
    %lt3A = arith.cmpf olt, %broadcast_in_dim3A_23, %broadcast_in_dim3A_4 : vector<512x1xf32>
    %eq3A = arith.cmpf oeq, %broadcast_in_dim3A_23, %broadcast_in_dim3A_4 : vector<512x1xf32>
    %lt3A_28 = arith.cmpi slt, %add3A_27, %broadcast_in_dim3A_6 : vector<512x1xi32>
    %and3A = arith.andi %eq3A, %lt3A_28 : vector<512x1xi1>
    %or3A = arith.ori %lt3A, %and3A : vector<512x1xi1>
    %convert_element_type3A_29 = arith.truncf %broadcast_in_dim3A_23 : vector<512x1xf32> to vector<512x1xbf16>
    %convert_element_type3A_30 = arith.extf %convert_element_type3A_29 : vector<512x1xbf16> to vector<512x1xf32>
    %select_n3A = arith.select %or3A, %convert_element_type3A_30, %broadcast_in_dim3A_4 : vector<512x1xi1>, vector<512x1xf32>
    %select_n3A_31 = arith.select %or3A, %add3A_27, %broadcast_in_dim3A_6 : vector<512x1xi1>, vector<512x1xi32>
    %get3A_32 = arith.constant 2736 : index
    %get3A_33 = arith.constant 0 : index
    %get3A_34 = vector.load %arg2[%get3A_32, %get3A_33] : memref<8192x256xf32, #tpu.memory_space<vmem>>, vector<2736x256xf32>
    %mul3A_35 = arith.constant -2.000000e+00 : f32
    %mul3A_36 = vector.broadcast %mul3A_35 : f32 to vector<2736x256xf32>
    %mul3A_37 = arith.mulf %mul3A_36, %get3A_34 : vector<2736x256xf32>
    %convert_element_type3A_38 = arith.truncf %mul3A_37 : vector<2736x256xf32> to vector<2736x256xbf16>
    %dot_general3A_39 = arith.constant dense<0.000000e+00> : vector<512x2736xf32>
    %dot_general3A_40 = tpu.matmul %convert_element_type3A, %convert_element_type3A_38, %dot_general3A_39 {dimension_numbers = #tpu.dot_dimension_numbers<[1], [1], [0], [0], [0, 0, 1, 0], [], []>, transpose_lhs_hint = false} : vector<512x256xbf16>, vector<2736x256xbf16>, vector<512x2736xf32> -> vector<512x2736xf32>
    %mul3A_41 = arith.mulf %get3A_34, %get3A_34 : vector<2736x256xf32>
    %reduce_sum3A_42 = arith.constant dense<0.000000e+00> : vector<2736xf32>
    %reduce_sum3A_43 = vector.multi_reduction <add>, %mul3A_41, %reduce_sum3A_42 [1] : vector<2736x256xf32> to vector<2736xf32>
    %broadcast_in_dim3A_44 = vector.shape_cast %reduce_sum3A_43 : vector<2736xf32> to vector<1x2736xf32>
    %add3A_45 = vector.broadcast %broadcast_in_dim3A : vector<512x1xf32> to vector<512x2736xf32>
    %add3A_46 = vector.broadcast %broadcast_in_dim3A_44 : vector<1x2736xf32> to vector<512x2736xf32>
    %add3A_47 = arith.addf %add3A_45, %add3A_46 : vector<512x2736xf32>
    %add3A_48 = arith.addf %add3A_47, %dot_general3A_40 : vector<512x2736xf32>
    %reduce_min3A_49 = arith.constant dense<0x7F800000> : vector<512xf32>
    %reduce_min3A_50 = vector.multi_reduction <minimumf>, %add3A_48, %reduce_min3A_49 [1] : vector<512x2736xf32> to vector<512xf32>
    %broadcast_in_dim3A_51 = vector.shape_cast %reduce_min3A_50 : vector<512xf32> to vector<512x1xf32>
    %argmin3A_52 = tpu.reduce_index %add3A_48 {axis = 1 : i32, kind = #tpu.reduction_kind<arg_min>} : vector<512x2736xf32> -> vector<512xi32>
    %broadcast_in_dim3A_53 = vector.shape_cast %argmin3A_52 : vector<512xi32> to vector<512x1xi32>
    %add3A_54 = arith.constant 2736 : i32
    %add3A_55 = vector.broadcast %add3A_54 : i32 to vector<512x1xi32>
    %add3A_56 = arith.addi %broadcast_in_dim3A_53, %add3A_55 : vector<512x1xi32>
    %lt3A_57 = arith.cmpf olt, %broadcast_in_dim3A_51, %select_n3A : vector<512x1xf32>
    %eq3A_58 = arith.cmpf oeq, %broadcast_in_dim3A_51, %select_n3A : vector<512x1xf32>
    %lt3A_59 = arith.cmpi slt, %add3A_56, %select_n3A_31 : vector<512x1xi32>
    %and3A_60 = arith.andi %eq3A_58, %lt3A_59 : vector<512x1xi1>
    %or3A_61 = arith.ori %lt3A_57, %and3A_60 : vector<512x1xi1>
    %convert_element_type3A_62 = arith.truncf %broadcast_in_dim3A_51 : vector<512x1xf32> to vector<512x1xbf16>
    %convert_element_type3A_63 = arith.extf %convert_element_type3A_62 : vector<512x1xbf16> to vector<512x1xf32>
    %select_n3A_64 = arith.select %or3A_61, %convert_element_type3A_63, %select_n3A : vector<512x1xi1>, vector<512x1xf32>
    %select_n3A_65 = arith.select %or3A_61, %add3A_56, %select_n3A_31 : vector<512x1xi1>, vector<512x1xi32>
    %get3A_66 = arith.constant 5472 : index
    %get3A_67 = arith.constant 0 : index
    %get3A_68 = vector.load %arg2[%get3A_66, %get3A_67] : memref<8192x256xf32, #tpu.memory_space<vmem>>, vector<2720x256xf32>
    %mul3A_69 = arith.constant -2.000000e+00 : f32
    %mul3A_70 = vector.broadcast %mul3A_69 : f32 to vector<2720x256xf32>
    %mul3A_71 = arith.mulf %mul3A_70, %get3A_68 : vector<2720x256xf32>
    %convert_element_type3A_72 = arith.truncf %mul3A_71 : vector<2720x256xf32> to vector<2720x256xbf16>
    %dot_general3A_73 = arith.constant dense<0.000000e+00> : vector<512x2720xf32>
    %dot_general3A_74 = tpu.matmul %convert_element_type3A, %convert_element_type3A_72, %dot_general3A_73 {dimension_numbers = #tpu.dot_dimension_numbers<[1], [1], [0], [0], [0, 0, 1, 0], [], []>, transpose_lhs_hint = false} : vector<512x256xbf16>, vector<2720x256xbf16>, vector<512x2720xf32> -> vector<512x2720xf32>
    %mul3A_75 = arith.mulf %get3A_68, %get3A_68 : vector<2720x256xf32>
    %reduce_sum3A_76 = arith.constant dense<0.000000e+00> : vector<2720xf32>
    %reduce_sum3A_77 = vector.multi_reduction <add>, %mul3A_75, %reduce_sum3A_76 [1] : vector<2720x256xf32> to vector<2720xf32>
    %broadcast_in_dim3A_78 = vector.shape_cast %reduce_sum3A_77 : vector<2720xf32> to vector<1x2720xf32>
    %add3A_79 = vector.broadcast %broadcast_in_dim3A : vector<512x1xf32> to vector<512x2720xf32>
    %add3A_80 = vector.broadcast %broadcast_in_dim3A_78 : vector<1x2720xf32> to vector<512x2720xf32>
    %add3A_81 = arith.addf %add3A_79, %add3A_80 : vector<512x2720xf32>
    %add3A_82 = arith.addf %add3A_81, %dot_general3A_74 : vector<512x2720xf32>
    %reduce_min3A_83 = arith.constant dense<0x7F800000> : vector<512xf32>
    %reduce_min3A_84 = vector.multi_reduction <minimumf>, %add3A_82, %reduce_min3A_83 [1] : vector<512x2720xf32> to vector<512xf32>
    %broadcast_in_dim3A_85 = vector.shape_cast %reduce_min3A_84 : vector<512xf32> to vector<512x1xf32>
    %argmin3A_86 = tpu.reduce_index %add3A_82 {axis = 1 : i32, kind = #tpu.reduction_kind<arg_min>} : vector<512x2720xf32> -> vector<512xi32>
    %broadcast_in_dim3A_87 = vector.shape_cast %argmin3A_86 : vector<512xi32> to vector<512x1xi32>
    %add3A_88 = arith.constant 5472 : i32
    %add3A_89 = vector.broadcast %add3A_88 : i32 to vector<512x1xi32>
    %add3A_90 = arith.addi %broadcast_in_dim3A_87, %add3A_89 : vector<512x1xi32>
    %lt3A_91 = arith.cmpf olt, %broadcast_in_dim3A_85, %select_n3A_64 : vector<512x1xf32>
    %eq3A_92 = arith.cmpf oeq, %broadcast_in_dim3A_85, %select_n3A_64 : vector<512x1xf32>
    %lt3A_93 = arith.cmpi slt, %add3A_90, %select_n3A_65 : vector<512x1xi32>
    %and3A_94 = arith.andi %eq3A_92, %lt3A_93 : vector<512x1xi1>
    %or3A_95 = arith.ori %lt3A_91, %and3A_94 : vector<512x1xi1>
    %select_n3A_96 = arith.select %or3A_95, %add3A_90, %select_n3A_65 : vector<512x1xi1>, vector<512x1xi32>
    %swap3A = arith.constant 0 : index
    %swap3A_97 = arith.constant 0 : index
    %swap3A_98 = vector.load %arg3[%swap3A, %swap3A_97] : memref<512x1xi32, #tpu.memory_space<vmem>>, vector<512x1xi32>
    tpu.vector_store %arg3[%swap3A, %swap3A_97], %select_n3A_96 {strides = array<i32>} : memref<512x1xi32, #tpu.memory_space<vmem>>, vector<512x1xi32>,
    return
  }
  func.func @transform_0(%arg0: i32) -> (i32, i32) {
    %c0_i32 = arith.constant 0 : i32
    %c0_i32_0 = arith.constant 0 : i32
    return %arg0, %c0_i32 : i32, i32
  }
  func.func @transform_1(%arg0: i32) -> (i32, i32) {
    %c0_i32 = arith.constant 0 : i32
    %c0_i32_0 = arith.constant 0 : i32
    %c0_i32_1 = arith.constant 0 : i32
    return %c0_i32, %c0_i32_0 : i32, i32
  }
  func.func @transform_2(%arg0: i32) -> (i32, i32) {
    %c0_i32 = arith.constant 0 : i32
    %c0_i32_0 = arith.constant 0 : i32
    return %arg0, %c0_i32 : i32, i32
  }
}

</mosaic_0001>

<sc_bundles>
// kernel: kernel.5.cloned.1.call-start
scs
__scs_entry_jumppad:
0x0: {  	(pc) =	sbr.rel $0x88, $3  }
0x1: {  	(tag) =	ssettag $0x0;
	lr =	simm.s32 $0x1  }
0x2: {  	[smem:$0x3F9F] =	sst lr;
	_ =	strace $0xD0000000  }
0x3: {  	_ = 	snop  }
0x4: {  	_ = 	snop  }
0x5: {  	_ = 	snop  }
0x6: {  	_ = 	snop  }
0x7: {  	_ = 	snop  }
__scs_overlays_trampoline_lowered:
0x8: {  	[smem:$0x3FAE] =	sst s0  }
0x9: {  	[smem:$0x3FAF] =	sst s1  }
0xa: {  	[smem:$0x3FB0] =	sst s2  }
0xb: {  	[smem:$0x3FB1] =	sst s3  }
0xc: {  	[smem:$0x3FB2] =	sst s4  }
0xd: {  	[smem:$0x3FB3] =	sst s5  }
0xe: {  	[smem:$0x3FB4] =	sst s6  }
0xf: {  	[smem:$0x3FB5] =	sst s7  }
0x10: {  	[smem:$0x3FB6] =	sst s8  }
0x11: {  	[smem:$0x3FB7] =	sst s9;
	s0 =	simm.s32 @!p0 $0x0  }
0x12: {  	s1 =	sld [smem:$0x3F9D];
	s0 =	simm.s32 @p0 $0x1  }
0x13: {  	[smem:$0x3FB8] =	sst s0;
	s0 =	simm.s32 @!p1 $0x0  }
0x14: {  	s2 =	sld [smem:$0x3F9C];
	s0 =	simm.s32 @p1 $0x1  }
0x15: {  	[smem:$0x3FB9] =	sst s0;
	s0 =	simm.s32 @!p2 $0x0  }
0x16: {  	s3 =	sld [smem:$0x3FDB];
	s0 =	simm.s32 @p2 $0x1  }
0x17: {  	s4 =	simm.s32 $0x1BF5;
	[smem:$0x3FBB] =	sst s0  }
0x18: {  	s0 =	sld [smem:$0x3F9E];
	_ =	swait.ge [sflag:s4], $0x0  }
0x19: {  	s7 =	sld [smem:$0x3F9F]  }
0x1a: {  	s8 =	sadd.s32 $0xFFFFE003, lr  }
0x1b: {  	s9 =	sadd.s32 $0xFFFFFEF7, lr;
	s5 =	simm.s32 $0xFFFFFFFF;
	p2 =	slt.u32 s8, $0xFFFFF086  }
0x1c: {  	p1 =	slt.u32 s9, $0xF7A;
	s5 =	simm.s32 @!p2 $0x0  }
0x1d: {  	s5 =	simm.s32 @p1 $0x1;
	p0 =	seq.s32 s7, s2  }
0x1e: {  	s7 =	smul.u32 @!p0 $0xF7A, s2;
	p2 =	seq.s32 @!p0 s5, $0x0  }
0x1f: {  	s9 =	smul.u32 $0xF7A, s1;
	s8 =	simm.s32 @!p0 $0x1BF5;
	p2 =	por !p2, p0  }
0x20: {  	[sflag:s8] =	ssyncset.s32 @!p0 $0xFFFFF086;
	s6 =	sadd.s32 @!p0 s3, s7;
	s7 =	simm.s32 @!p0 $0x108  }
0x21: {  	s3 =	sadd.s32 s3, s9;
	s6 =	sadd.s32 @!p0 $0x88, s6;
	s7 =	simm.s32 @p2 $0x1082  }
0x22: {  	[simem:s7], [sflag:s8] =	dma.local @!p0 [hbm:s6], $0xF7A  }
0x23: {  	s9 =	sor.u32 $0xD0000000, s2;
	s6 =	simm.s32 $0x108;
	_ =	swait.ge @!p0 [sflag:s8], $0x0  }
0x24: {  	s3 =	sadd.s32 $0x88, s3;
	s6 =	simm.s32 @!p1 $0x1082;
	[sflag:s4] =	ssyncset.s32 $0xFFFFF086  }
0x25: {  	[simem:s6], [sflag:s4] =	dma.local [hbm:s3], $0xF7A  }
0x26: {  	[smem:$0x3F9F] =	sst s1;
	(tag) =	ssettag s2;
	_ =	strace s9  }
0x27: {  	s1 =	sld [smem:$0x3FAF]  }
0x28: {  	s2 =	sld [smem:$0x3FB0]  }
0x29: {  	s4 =	sld [smem:$0x3FB2]  }
0x2a: {  	p0 =	seq.s32 s5, $0x0;
	s5 =	sld [smem:$0x3FB3]  }
0x2b: {  	s6 =	sld [smem:$0x3FB4]  }
0x2c: {  	s7 =	sld [smem:$0x3FB5]  }
0x2d: {  	s3 =	simm.s32 $0x108;
	s8 =	sld [smem:$0x3FB6]  }
0x2e: {  	s3 =	simm.s32 @!p0 $0x1082;
	s9 =	sld [smem:$0x3FB7]  }
0x2f: {  	lr =	sadd.s32 s0, s3;
	s0 =	sld [smem:$0x3FAE]  }
0x30: {  	s3 =	sld [smem:$0x3FB1]  }
0x31: {  	[smem:$0x3FBA] =	sst s10  }
0x32: {  	s10 =	sld [smem:$0x3FB8];
	_ =	sdelay $0x3  }
0x33: {  	p0 =	seq.s32 s10, $0x1;
	s10 =	sld [smem:$0x3FBA];
	_ =	sdelay $0x3  }
0x34: {  	[smem:$0x3FBA] =	sst s10  }
0x35: {  	s10 =	sld [smem:$0x3FB9];
	_ =	sdelay $0x3  }
0x36: {  	p1 =	seq.s32 s10, $0x1;
	s10 =	sld [smem:$0x3FBA];
	_ =	sdelay $0x3  }
0x37: {  	[smem:$0x3FBA] =	sst s10  }
0x38: {  	s10 =	sld [smem:$0x3FBB]  }
0x39: {  	_ = 	snop;
	(pc) =	sbr.ind lr, $3  }
0x3a: {  	_ = 	snop  }
0x3b: {  	_ = 	snop  }
0x3c: {  	p2 =	seq.s32 s10, $0x1;
	s10 =	sld [smem:$0x3FBA]  }
0x3d: {  	_ =	shalt  }
0x3e: {  	_ =	shalt  }
0x3f: {  	_ =	shalt  }
0x40: {  	_ =	shalt  }
0x41: {  	_ =	shalt  }
0x42: {  	_ =	shalt  }
0x43: {  	_ =	shalt  }
0x44: {  	_ =	shalt  }
0x45: {  	_ =	shalt  }
0x46: {  	_ =	shalt  }
0x47: {  	_ =	shalt  }
0x48: {  	_ =	shalt  }
0x49: {  	_ =	shalt  }
0x4a: {  	_ =	shalt  }
0x4b: {  	_ =	shalt  }
0x4c: {  	_ =	shalt  }
0x4d: {  	_ =	shalt  }
0x4e: {  	_ =	shalt  }
0x4f: {  	_ =	shalt  }
0x50: {  	_ =	shalt  }
0x51: {  	_ =	shalt  }
0x52: {  	_ =	shalt  }
0x53: {  	_ =	shalt  }
0x54: {  	_ =	shalt  }
0x55: {  	_ =	shalt  }
0x56: {  	_ =	shalt  }
0x57: {  	_ =	shalt  }
0x58: {  	_ =	shalt  }
0x59: {  	_ =	shalt  }
0x5a: {  	_ =	shalt  }
0x5b: {  	_ =	shalt  }
0x5c: {  	_ =	shalt  }
0x5d: {  	_ =	shalt  }
0x5e: {  	_ =	shalt  }
0x5f: {  	_ =	shalt  }
0x60: {  	_ =	shalt  }
0x61: {  	_ =	shalt  }
0x62: {  	_ =	shalt  }
0x63: {  	_ =	shalt  }
0x64: {  	_ =	shalt  }
0x65: {  	_ =	shalt  }
0x66: {  	_ =	shalt  }
0x67: {  	_ =	shalt  }
0x68: {  	_ =	shalt  }
0x69: {  	_ =	shalt  }
0x6a: {  	_ =	shalt  }
0x6b: {  	_ =	shalt  }
0x6c: {  	_ =	shalt  }
0x6d: {  	_ =	shalt  }
0x6e: {  	_ =	shalt  }
0x6f: {  	_ =	shalt  }
0x70: {  	_ =	shalt  }
0x71: {  	_ =	shalt  }
0x72: {  	_ =	shalt  }
0x73: {  	_ =	shalt  }
0x74: {  	_ =	shalt  }
0x75: {  	_ =	shalt  }
0x76: {  	_ =	shalt  }
0x77: {  	_ =	shalt  }
0x78: {  	_ =	shalt  }
0x79: {  	_ =	shalt  }
0x7a: {  	_ =	shalt  }
0x7b: {  	_ =	shalt  }
0x7c: {  	_ =	shalt  }
0x7d: {  	_ =	shalt  }
0x7e: {  	_ =	shalt  }
0x7f: {  	_ =	shalt  }
0x80: {  	_ =	shalt  }
0x81: {  	_ =	shalt  }
0x82: {  	_ =	shalt  }
0x83: {  	_ =	shalt  }
0x84: {  	_ =	shalt  }
0x85: {  	_ =	shalt  }
0x86: {  	_ =	shalt  }
0x87: {  	_ =	shalt  }
.Lfunc_end0:
.L_simem_size_0:
called_computation_lowered:
.L_overlay_start_0:
0x88: {  	s2 =	sld [smem:$0x3FD9]  }
0x89: {  	s3 =	sld [smem:$0x3FFE];
	_ =	sdelay $0x1  }
0x8a: {  	s1 =	srdreg.scid  }
0x8b: {  	s0 =	sand.u32 $0x1, s1  }
0x8c: {  	s15 =	sshll.u32 s0, $0xA;
	s2 =	sadd.s32 s3, s2  }
0x8d: {  	s2 =	sadd.s32 s2, s15  }
0x8e: {  	[smem:$0x3FC6] =	sst s2  }
0x8f: {  	_ = 	snop  }
0x90: {  	s2 =	sld [smem:$0x3FD0];
	_ =	sdelay $0x2  }
0x91: {  	s4 =	simm.s32 $0xA;
	s5 =	simm.s32 $0x10;
	s16 =	sld [smem:$0x3FC8]  }
0x92: {  	[smem:s5], [sflag:s4] =	dma.local [hbm:s2], $0x1  }
0x93: {  	_ =	swait.eq [sflag:s4], $0x1  }
0x94: {  	[sflag:s4] =	ssyncset.done $0x0  }
0x95: {  	s17 =	sld [smem:$0x10];
	[sflag:s4] =	ssyncadd.s32 $0xFFFFFFFF  }
0x96: {  	s18 =	sld [smem:$0x12];
	(tm) =	ssettm $0x1  }
0x97: {  	s19 =	sld [smem:$0x3FFB];
	_ =	sdelay $0x3  }
0x98: {  	_ =	strace s19  }
0x99: {  	s5 =	sld [smem:$0x3FFC];
	_ =	sdelay $0x3  }
0x9a: {  	_ =	strace s5  }
0x9b: {  	s5 =	sld [smem:$0x3FFD];
	_ =	sdelay $0x3  }
0x9c: {  	_ =	strace s5  }
0x9d: {  	_ =	strace $0x8FFFFFFF  }
0x9e: {  	s20 =	sld [smem:$0x3FDB];
	_ =	sdelay $0x1  }
0x9f: {  	s6 =	simm.s32 $_scs_section_size  }
0xa0: {  	s7 =	simm.s32 $_size__tile_overlayer_lowered;
	s8 =	simm.s32 $_tile_overlayer_lowered  }
0xa1: {  	s23 =	simm.s32 $0x1BFF;
	s22 =	sshll.u32 s8, $0x1;
	s5 =	sadd.s32 s6, s20  }
0xa2: {  	s9 =	simm.s32 $0x0;
	s21 =	sshll.u32 s7, $0x1;
	s7 =	sadd.s32 s22, s5  }
0xa3: {  	[timem:s9], [sflag:s23] =	dma.local [hbm:s7], s21  }
0xa4: {  	_ =	swait.ge [sflag:s23], s21  }
0xa5: {  	s6 =	ssub.s32 $0x0, s21;
	[sflag:s23] =	ssyncset.done $0x0  }
0xa6: {  	[sflag:s23] =	ssyncadd.s32 s6;
	_ =	sdelay $0x1  }
0xa7: {  	s24 =	simm.s32 $0x1B8B  }
0xa8: {  	_ =	swait.ge [sflag:s24], $0x1  }
0xa9: {  	[sflag:s24] =	ssyncset.done $0x0  }
0xaa: {  	s25 =	simm.s32 $0x1B8E;
	[sflag:s24] =	ssyncadd.s32 $0xFFFFFFFF  }
0xab: {  	s26 =	simm.s32 $execute0_lowered;
	[smem:$0x3FD2] =	sst s25  }
0xac: {  	s6 =	sshll.u32 s26, $0x1;
	_ =	strace $0x80000046;
	[dreg:$0x1] =	wrdreg $0xFFFFFFFF  }
0xad: {  	s28 =	simm.s32 $_size_execute0_lowered;
	s5 =	sadd.s32 s5, s6;
	[dreg:$0x0] =	wrdreg $0x0  }
0xae: {  	s6 =	sshll.u32 s28, $0x1;
	[dreg:$0x2] =	wrdreg s5  }
0xaf: {  	[dreg:$0x3] =	wrdreg s6  }
0xb0: {  	[dreg:$0x4] =	wrdreg $0xC0  }
0xb1: {  	_ =	task [dreg:s9], $0x5FFFF  }
0xb2: {  	[dreg:$0x1] =	wrdreg $0xFFFFFFFF  }
0xb3: {  	[dreg:$0x0] =	wrdreg $0x60  }
0xb4: {  	[dreg:$0x2] =	wrdreg s16  }
0xb5: {  	[dreg:$0x3] =	wrdreg s18  }
0xb6: {  	[dreg:$0x4] =	wrdreg s17  }
0xb7: {  	[dreg:$0x5] =	wrdreg $0x9  }
0xb8: {  	_ =	task.clear_ibuf [dreg:s9], $0x6FFFF;
	_ =	strace $0x90000046  }
0xb9: {  	s29 =	simm.s32 $0x9;
	_ =	strace $0x80000048  }
0xba: {  	_ =	swait.ge [sflag:s29], $0x1  }
0xbb: {  	[sflag:s29] =	ssyncadd.s32 $0xFFFFFFFF  }
0xbc: {  	_ =	strace $0x90000048  }
0xbd: {  	_ =	sfence  }
0xbe: {  	s30 =	sld [smem:$0x0];
	_ =	sdelay $0x2  }
0xbf: {  	s31 =	sshll.u32 s1, $0xD;
	s1 =	sshrl.u32 s1, $0x2  }
0xc0: {  	s3 =	sand.u32 $0x4000, s31;
	s1 =	sadd.s32 s1, s30  }
0xc1: {  	s0 =	sor.u32 s3, s0;
	s1 =	sshll.u32 s1, $0x11  }
0xc2: {  	s0 =	sor.u32 s1, s0  }
0xc3: {  	s0 =	sadd.s32 $0x8F2B, s0  }
0xc4: {  	[sflag:s0] =	ssyncadd.remote.s32 $0x1  }
0xc5: {  	_ =	sfence.sel $0xFFFF  }
0xc6: {  	[dreg:$0x0] =	wrdreg $0xFFFFFFFF;
	(pc) =	sbr.abs _section_cstart, $3  }
0xc7: {  	[dreg:$0x1] =	wrdreg $0xFFFFFFFF  }
0xc8: {  	_ =	task.clear_ibuf [dreg:s9], $0x2FFFF;
	_ =	strace $0x9FFFFFFF  }
0xc9: {  	(tm) =	ssettm $0x7FFFFFFF  }
tec
execute0_lowered:
.L_overlay_start_1:
0x0: {  	(tag) =	ssettag $0x1  }
0x1: {  	s1 =	rddreg [dreg:$0x0]  }
0x2: {  	s5 =	rddreg [dreg:$0x1]  }
0x3: {  	s4 =	rddreg [dreg:$0x2]  }
0x4: {  	s0 =	rddreg [dreg:$0x3];
	s6 =	srdreg.scid  }
0x5: {  	s2 =	stileid.u32;
	s3 =	simm.s32 $0x0;
	s10 =	simm.s32 $0x2  }
0x6: {  	s11 =	simm.s32 $0x200;
	s12 =	simm.s32 $0xA00;
	s13 =	simm.s32 $0x1200  }
0x7: {  	s14 =	simm.s32 $0x1A00;
	s15 =	simm.s32 $0x2200;
	s16 =	simm.s32 $0x2A00  }
0x8: {  	s17 =	simm.s32 $0x3200;
	s18 =	simm.s32 $0x3A00;
	s19 =	simm.s32 $0x4200  }
0x9: {  	s20 =	simm.s32 $0x4A00;
	s21 =	simm.s32 $0x5200;
	s22 =	simm.s32 $0x5A00  }
0xa: {  	s23 =	simm.s32 $0x6200;
	s24 =	simm.s32 $0x6A00;
	s25 =	simm.s32 $0x7200  }
0xb: {  	s26 =	simm.s32 $0x7A00;
	s6 =	sand.u32 $0x1, s6;
	s7 =	sshll.u32 s2, $0x1  }
0xc: {  	s28 =	simm.s32 $0x1;
	[smem:$0x7FF] =	sst s3;
	s7 =	sor.u32 s6, s7  }
0xd: {  	_ =	strace $0x80000047;
	s6 =	ssub.s32 $0x2, s6;
	s8 =	sshll.u32 s7, $0xE  }
0xe: {  	v2 =	vlaneseq.u32;
	s9 =	sshrl.u32 s6, $0x1;
	s7 =	sshll.u32 s7, $0x6;
	s4 =	sadd.s32 s4, s8  }
0xf: {  	vm0 =	vmmov $0xffff;
	v1 =	vshrl.u32 v2, $0x3;
	s9 =	ssub.s32 s6, s9;
	s5 =	sadd.s32 s5, s7;
	s6 =	sadd.s32 $0x1000, s4  }
0x10: {  	v0 =	vand.u32 $0x7, v2;
	v2 =	vor.u32 $0x8, v2;
	v1 =	vmul.u32 $0x8, v1;
	s7 =	sadd.s32 $0x2000, s4;
	s8 =	sadd.s32 $0x3000, s4;
	s9 =	smax.u32 s9, $0x1  }
.LBB2_1:
0x11: {  	[tilespmem:s3], [sflag:$0x2] =	stream.linear.gather [hbm4b:s5+s3], $0x200, $0x38;
	[tilespmem:$0x8200] =	vst v63  }
0x12: {  	_ =	swait.ge [sflag:s10], $0x200  }
0x13: {  	[sflag:s10] =	ssyncset.done $0x0  }
0x14: {  	[sflag:s10] =	ssyncadd.s32 $0xFFFFFE00  }
0x15: {  	v3 =	vld [tilespmem:$0x0];
	_ =	sdelay $0x4  }
0x16: {  	v4 =	vshll.u32 v3, $0x1  }
0x17: {  	v3 =	vand.u32 $0x7, v3;
	v4 =	vand.u32 $0xFFFFFFF0, v4  }
0x18: {  	v3 =	vor.u32 v3, v4  }
0x19: {  	v4 =	vperm.xlane v3, v0;
	_ =	sdelay $0x1  }
0x1a: {  	v3 =	vperm.xlane v3, v2;
	v4 =	vadd.s32 v1, v4;
	_ =	sdelay $0x1  }
0x1b: {  	v3 =	vadd.s32 v1, v3;
	_ =	sdelay $0x2  }
0x1c: {  	[tilespmem:s11], [sflag:$0x1] =	stream.indirect_vreg.gather [hbm4b:s1+s3], $0x80, v4, vm0, $0xb8;
	[tilespmem:$0x8200] =	vst v63  }
0x1d: {  	_ = 	snop  }
0x1e: {  	[tilespmem:s12], [sflag:$0x1] =	stream.indirect_vreg.gather [hbm4b:s1+s3], $0x80, v3, vm0, $0xb8;
	[tilespmem:$0x8200] =	vst v63  }
0x1f: {  	v3 =	vld [tilespmem:$0x10];
	_ =	sdelay $0x4  }
0x20: {  	v33 =	vshll.u32 v3, $0x1  }
0x21: {  	v3 =	vand.u32 $0x7, v3;
	v4 =	vand.u32 $0xFFFFFFF0, v33  }
0x22: {  	v3 =	vor.u32 v3, v4  }
0x23: {  	v4 =	vperm.xlane v3, v0;
	_ =	sdelay $0x1  }
0x24: {  	v3 =	vperm.xlane v3, v2;
	v4 =	vadd.s32 v1, v4;
	_ =	sdelay $0x1  }
0x25: {  	v3 =	vadd.s32 v1, v3;
	_ =	sdelay $0x2  }
0x26: {  	[tilespmem:s13], [sflag:$0x1] =	stream.indirect_vreg.gather [hbm4b:s1+s3], $0x80, v4, vm0, $0xb8;
	[tilespmem:$0x8200] =	vst v63  }
0x27: {  	_ = 	snop  }
0x28: {  	[tilespmem:s14], [sflag:$0x1] =	stream.indirect_vreg.gather [hbm4b:s1+s3], $0x80, v3, vm0, $0xb8;
	[tilespmem:$0x8200] =	vst v63  }
0x29: {  	v3 =	vld [tilespmem:$0x20];
	_ =	sdelay $0x4  }
0x2a: {  	v34 =	vshll.u32 v3, $0x1  }
0x2b: {  	v3 =	vand.u32 $0x7, v3;
	v4 =	vand.u32 $0xFFFFFFF0, v34  }
0x2c: {  	v3 =	vor.u32 v3, v4  }
0x2d: {  	v4 =	vperm.xlane v3, v0;
	_ =	sdelay $0x1  }
0x2e: {  	v3 =	vperm.xlane v3, v2;
	v4 =	vadd.s32 v1, v4;
	_ =	sdelay $0x1  }
0x2f: {  	v3 =	vadd.s32 v1, v3;
	_ =	sdelay $0x2  }
0x30: {  	[tilespmem:s15], [sflag:$0x1] =	stream.indirect_vreg.gather [hbm4b:s1+s3], $0x80, v4, vm0, $0xb8;
	[tilespmem:$0x8200] =	vst v63  }
0x31: {  	_ = 	snop  }
0x32: {  	[tilespmem:s16], [sflag:$0x1] =	stream.indirect_vreg.gather [hbm4b:s1+s3], $0x80, v3, vm0, $0xb8;
	[tilespmem:$0x8200] =	vst v63  }
0x33: {  	v3 =	vld [tilespmem:$0x30];
	_ =	sdelay $0x4  }
0x34: {  	v35 =	vshll.u32 v3, $0x1  }
0x35: {  	v3 =	vand.u32 $0x7, v3;
	v4 =	vand.u32 $0xFFFFFFF0, v35  }
0x36: {  	v3 =	vor.u32 v3, v4  }
0x37: {  	v4 =	vperm.xlane v3, v0;
	_ =	sdelay $0x1  }
0x38: {  	v3 =	vperm.xlane v3, v2;
	v4 =	vadd.s32 v1, v4;
	_ =	sdelay $0x1  }
0x39: {  	v3 =	vadd.s32 v1, v3;
	_ =	sdelay $0x2  }
0x3a: {  	[tilespmem:s17], [sflag:$0x1] =	stream.indirect_vreg.gather [hbm4b:s1+s3], $0x80, v4, vm0, $0xb8;
	[tilespmem:$0x8200] =	vst v63  }
0x3b: {  	_ = 	snop  }
0x3c: {  	[tilespmem:s18], [sflag:$0x1] =	stream.indirect_vreg.gather [hbm4b:s1+s3], $0x80, v3, vm0, $0xb8;
	[tilespmem:$0x8200] =	vst v63  }
0x3d: {  	v3 =	vld [tilespmem:$0x40];
	_ =	sdelay $0x4  }
0x3e: {  	v36 =	vshll.u32 v3, $0x1  }
0x3f: {  	v3 =	vand.u32 $0x7, v3;
	v4 =	vand.u32 $0xFFFFFFF0, v36  }
0x40: {  	v3 =	vor.u32 v3, v4  }
0x41: {  	v4 =	vperm.xlane v3, v0;
	_ =	sdelay $0x1  }
0x42: {  	v3 =	vperm.xlane v3, v2;
	v4 =	vadd.s32 v1, v4;
	_ =	sdelay $0x1  }
0x43: {  	v3 =	vadd.s32 v1, v3;
	_ =	sdelay $0x2  }
0x44: {  	[tilespmem:s19], [sflag:$0x1] =	stream.indirect_vreg.gather [hbm4b:s1+s3], $0x80, v4, vm0, $0xb8;
	[tilespmem:$0x8200] =	vst v63  }
0x45: {  	_ = 	snop  }
0x46: {  	[tilespmem:s20], [sflag:$0x1] =	stream.indirect_vreg.gather [hbm4b:s1+s3], $0x80, v3, vm0, $0xb8;
	[tilespmem:$0x8200] =	vst v63  }
0x47: {  	v3 =	vld [tilespmem:$0x50];
	_ =	sdelay $0x4  }
0x48: {  	v37 =	vshll.u32 v3, $0x1  }
0x49: {  	v3 =	vand.u32 $0x7, v3;
	v4 =	vand.u32 $0xFFFFFFF0, v37  }
0x4a: {  	v3 =	vor.u32 v3, v4  }
0x4b: {  	v4 =	vperm.xlane v3, v0;
	_ =	sdelay $0x1  }
0x4c: {  	v3 =	vperm.xlane v3, v2;
	v4 =	vadd.s32 v1, v4;
	_ =	sdelay $0x1  }
0x4d: {  	v3 =	vadd.s32 v1, v3;
	_ =	sdelay $0x2  }
0x4e: {  	[tilespmem:s21], [sflag:$0x1] =	stream.indirect_vreg.gather [hbm4b:s1+s3], $0x80, v4, vm0, $0xb8;
	[tilespmem:$0x8200] =	vst v63  }
0x4f: {  	_ = 	snop  }
0x50: {  	[tilespmem:s22], [sflag:$0x1] =	stream.indirect_vreg.gather [hbm4b:s1+s3], $0x80, v3, vm0, $0xb8;
	[tilespmem:$0x8200] =	vst v63  }
0x51: {  	v3 =	vld [tilespmem:$0x60];
	_ =	sdelay $0x4  }
0x52: {  	v38 =	vshll.u32 v3, $0x1  }
0x53: {  	v3 =	vand.u32 $0x7, v3;
	v4 =	vand.u32 $0xFFFFFFF0, v38  }
0x54: {  	v3 =	vor.u32 v3, v4  }
0x55: {  	v4 =	vperm.xlane v3, v0;
	_ =	sdelay $0x1  }
0x56: {  	v3 =	vperm.xlane v3, v2;
	v4 =	vadd.s32 v1, v4;
	_ =	sdelay $0x1  }
0x57: {  	v3 =	vadd.s32 v1, v3;
	_ =	sdelay $0x2  }
0x58: {  	[tilespmem:s23], [sflag:$0x1] =	stream.indirect_vreg.gather [hbm4b:s1+s3], $0x80, v4, vm0, $0xb8;
	[tilespmem:$0x8200] =	vst v63  }
0x59: {  	_ = 	snop  }
0x5a: {  	[tilespmem:s24], [sflag:$0x1] =	stream.indirect_vreg.gather [hbm4b:s1+s3], $0x80, v3, vm0, $0xb8;
	[tilespmem:$0x8200] =	vst v63  }
0x5b: {  	v3 =	vld [tilespmem:$0x70];
	_ =	sdelay $0x4  }
0x5c: {  	v39 =	vshll.u32 v3, $0x1  }
0x5d: {  	v3 =	vand.u32 $0x7, v3;
	v4 =	vand.u32 $0xFFFFFFF0, v39  }
0x5e: {  	v3 =	vor.u32 v3, v4  }
0x5f: {  	v4 =	vperm.xlane v3, v0;
	_ =	sdelay $0x1  }
0x60: {  	v3 =	vperm.xlane v3, v2;
	v4 =	vadd.s32 v1, v4;
	_ =	sdelay $0x1  }
0x61: {  	v3 =	vadd.s32 v1, v3;
	_ =	sdelay $0x2  }
0x62: {  	[tilespmem:s25], [sflag:$0x1] =	stream.indirect_vreg.gather [hbm4b:s1+s3], $0x80, v4, vm0, $0xb8;
	[tilespmem:$0x8200] =	vst v63  }
0x63: {  	_ = 	snop  }
0x64: {  	[tilespmem:s26], [sflag:$0x1] =	stream.indirect_vreg.gather [hbm4b:s1+s3], $0x80, v3, vm0, $0xb8;
	[tilespmem:$0x8200] =	vst v63  }
0x65: {  	_ =	swait.ge [sflag:s28], $0x8000  }
0x66: {  	[sflag:s28] =	ssyncset.done $0x0  }
0x67: {  	[sflag:s28] =	ssyncadd.s32 $0xFFFF8000  }
0x68: {  	[hbm4b:s4+s3] =	stream.linear.scatter [tilespmem:s11], [sflag:$0x2], $0x8000, $0x38;
	[tilespmem:$0x8200] =	vst v63  }
0x69: {  	_ =	swait.ge [sflag:s10], $0x8000  }
0x6a: {  	[sflag:s10] =	ssyncset.done $0x0  }
0x6b: {  	[sflag:s10] =	ssyncadd.s32 $0xFFFF8000  }
0x6c: {  	v3 =	vld [tilespmem:$0x80];
	_ =	sdelay $0x4  }
0x6d: {  	v40 =	vshll.u32 v3, $0x1  }
0x6e: {  	v3 =	vand.u32 $0x7, v3;
	v4 =	vand.u32 $0xFFFFFFF0, v40  }
0x6f: {  	v3 =	vor.u32 v3, v4  }
0x70: {  	v4 =	vperm.xlane v3, v0;
	_ =	sdelay $0x1  }
0x71: {  	v3 =	vperm.xlane v3, v2;
	v4 =	vadd.s32 v1, v4;
	_ =	sdelay $0x1  }
0x72: {  	v3 =	vadd.s32 v1, v3;
	_ =	sdelay $0x2  }
0x73: {  	[tilespmem:s11], [sflag:$0x1] =	stream.indirect_vreg.gather [hbm4b:s1+s3], $0x80, v4, vm0, $0xb8;
	[tilespmem:$0x8200] =	vst v63  }
0x74: {  	_ = 	snop  }
0x75: {  	[tilespmem:s12], [sflag:$0x1] =	stream.indirect_vreg.gather [hbm4b:s1+s3], $0x80, v3, vm0, $0xb8;
	[tilespmem:$0x8200] =	vst v63  }
0x76: {  	v3 =	vld [tilespmem:$0x90];
	_ =	sdelay $0x4  }
0x77: {  	v41 =	vshll.u32 v3, $0x1  }
0x78: {  	v3 =	vand.u32 $0x7, v3;
	v4 =	vand.u32 $0xFFFFFFF0, v41  }
0x79: {  	v3 =	vor.u32 v3, v4  }
0x7a: {  	v4 =	vperm.xlane v3, v0;
	_ =	sdelay $0x1  }
0x7b: {  	v3 =	vperm.xlane v3, v2;
	v4 =	vadd.s32 v1, v4;
	_ =	sdelay $0x1  }
0x7c: {  	v3 =	vadd.s32 v1, v3;
	_ =	sdelay $0x2  }
0x7d: {  	[tilespmem:s13], [sflag:$0x1] =	stream.indirect_vreg.gather [hbm4b:s1+s3], $0x80, v4, vm0, $0xb8;
	[tilespmem:$0x8200] =	vst v63  }
0x7e: {  	_ = 	snop  }
0x7f: {  	[tilespmem:s14], [sflag:$0x1] =	stream.indirect_vreg.gather [hbm4b:s1+s3], $0x80, v3, vm0, $0xb8;
	[tilespmem:$0x8200] =	vst v63  }
0x80: {  	v3 =	vld [tilespmem:$0xA0];
	_ =	sdelay $0x4  }
0x81: {  	v42 =	vshll.u32 v3, $0x1  }
0x82: {  	v3 =	vand.u32 $0x7, v3;
	v4 =	vand.u32 $0xFFFFFFF0, v42  }
0x83: {  	v3 =	vor.u32 v3, v4  }
0x84: {  	v4 =	vperm.xlane v3, v0;
	_ =	sdelay $0x1  }
0x85: {  	v3 =	vperm.xlane v3, v2;
	v4 =	vadd.s32 v1, v4;
	_ =	sdelay $0x1  }
0x86: {  	v3 =	vadd.s32 v1, v3;
	_ =	sdelay $0x2  }
0x87: {  	[tilespmem:s15], [sflag:$0x1] =	stream.indirect_vreg.gather [hbm4b:s1+s3], $0x80, v4, vm0, $0xb8;
	[tilespmem:$0x8200] =	vst v63  }
0x88: {  	_ = 	snop  }
0x89: {  	[tilespmem:s16], [sflag:$0x1] =	stream.indirect_vreg.gather [hbm4b:s1+s3], $0x80, v3, vm0, $0xb8;
	[tilespmem:$0x8200] =	vst v63  }
0x8a: {  	v3 =	vld [tilespmem:$0xB0];
	_ =	sdelay $0x4  }
0x8b: {  	v43 =	vshll.u32 v3, $0x1  }
0x8c: {  	v3 =	vand.u32 $0x7, v3;
	v4 =	vand.u32 $0xFFFFFFF0, v43  }
0x8d: {  	v3 =	vor.u32 v3, v4  }
0x8e: {  	v4 =	vperm.xlane v3, v0;
	_ =	sdelay $0x1  }
0x8f: {  	v3 =	vperm.xlane v3, v2;
	v4 =	vadd.s32 v1, v4;
	_ =	sdelay $0x1  }
0x90: {  	v3 =	vadd.s32 v1, v3;
	_ =	sdelay $0x2  }
0x91: {  	[tilespmem:s17], [sflag:$0x1] =	stream.indirect_vreg.gather [hbm4b:s1+s3], $0x80, v4, vm0, $0xb8;
	[tilespmem:$0x8200] =	vst v63  }
0x92: {  	_ = 	snop  }
0x93: {  	[tilespmem:s18], [sflag:$0x1] =	stream.indirect_vreg.gather [hbm4b:s1+s3], $0x80, v3, vm0, $0xb8;
	[tilespmem:$0x8200] =	vst v63  }
0x94: {  	v3 =	vld [tilespmem:$0xC0];
	_ =	sdelay $0x4  }
0x95: {  	v44 =	vshll.u32 v3, $0x1  }
0x96: {  	v3 =	vand.u32 $0x7, v3;
	v4 =	vand.u32 $0xFFFFFFF0, v44  }
0x97: {  	v3 =	vor.u32 v3, v4  }
0x98: {  	v4 =	vperm.xlane v3, v0;
	_ =	sdelay $0x1  }
0x99: {  	v3 =	vperm.xlane v3, v2;
	v4 =	vadd.s32 v1, v4;
	_ =	sdelay $0x1  }
0x9a: {  	v3 =	vadd.s32 v1, v3;
	_ =	sdelay $0x2  }
0x9b: {  	[tilespmem:s19], [sflag:$0x1] =	stream.indirect_vreg.gather [hbm4b:s1+s3], $0x80, v4, vm0, $0xb8;
	[tilespmem:$0x8200] =	vst v63  }
0x9c: {  	_ = 	snop  }
0x9d: {  	[tilespmem:s20], [sflag:$0x1] =	stream.indirect_vreg.gather [hbm4b:s1+s3], $0x80, v3, vm0, $0xb8;
	[tilespmem:$0x8200] =	vst v63  }
0x9e: {  	v3 =	vld [tilespmem:$0xD0];
	_ =	sdelay $0x4  }
0x9f: {  	v45 =	vshll.u32 v3, $0x1  }
0xa0: {  	v3 =	vand.u32 $0x7, v3;
	v4 =	vand.u32 $0xFFFFFFF0, v45  }
0xa1: {  	v3 =	vor.u32 v3, v4  }
0xa2: {  	v4 =	vperm.xlane v3, v0;
	_ =	sdelay $0x1  }
0xa3: {  	v3 =	vperm.xlane v3, v2;
	v4 =	vadd.s32 v1, v4;
	_ =	sdelay $0x1  }
0xa4: {  	v3 =	vadd.s32 v1, v3;
	_ =	sdelay $0x2  }
0xa5: {  	[tilespmem:s21], [sflag:$0x1] =	stream.indirect_vreg.gather [hbm4b:s1+s3], $0x80, v4, vm0, $0xb8;
	[tilespmem:$0x8200] =	vst v63  }
0xa6: {  	_ = 	snop  }
0xa7: {  	[tilespmem:s22], [sflag:$0x1] =	stream.indirect_vreg.gather [hbm4b:s1+s3], $0x80, v3, vm0, $0xb8;
	[tilespmem:$0x8200] =	vst v63  }
0xa8: {  	v3 =	vld [tilespmem:$0xE0];
	_ =	sdelay $0x4  }
0xa9: {  	v46 =	vshll.u32 v3, $0x1  }
0xaa: {  	v3 =	vand.u32 $0x7, v3;
	v4 =	vand.u32 $0xFFFFFFF0, v46  }
0xab: {  	v3 =	vor.u32 v3, v4  }
0xac: {  	v4 =	vperm.xlane v3, v0;
	_ =	sdelay $0x1  }
0xad: {  	v3 =	vperm.xlane v3, v2;
	v4 =	vadd.s32 v1, v4;
	_ =	sdelay $0x1  }
0xae: {  	v3 =	vadd.s32 v1, v3;
	_ =	sdelay $0x2  }
0xaf: {  	[tilespmem:s23], [sflag:$0x1] =	stream.indirect_vreg.gather [hbm4b:s1+s3], $0x80, v4, vm0, $0xb8;
	[tilespmem:$0x8200] =	vst v63  }
0xb0: {  	_ = 	snop  }
0xb1: {  	[tilespmem:s24], [sflag:$0x1] =	stream.indirect_vreg.gather [hbm4b:s1+s3], $0x80, v3, vm0, $0xb8;
	[tilespmem:$0x8200] =	vst v63  }
0xb2: {  	v3 =	vld [tilespmem:$0xF0];
	_ =	sdelay $0x4  }
0xb3: {  	v47 =	vshll.u32 v3, $0x1  }
0xb4: {  	v3 =	vand.u32 $0x7, v3;
	v4 =	vand.u32 $0xFFFFFFF0, v47  }
0xb5: {  	v3 =	vor.u32 v3, v4  }
0xb6: {  	v4 =	vperm.xlane v3, v0;
	_ =	sdelay $0x1  }
0xb7: {  	v3 =	vperm.xlane v3, v2;
	v4 =	vadd.s32 v1, v4;
	_ =	sdelay $0x1  }
0xb8: {  	v3 =	vadd.s32 v1, v3;
	_ =	sdelay $0x2  }
0xb9: {  	[tilespmem:s25], [sflag:$0x1] =	stream.indirect_vreg.gather [hbm4b:s1+s3], $0x80, v4, vm0, $0xb8;
	[tilespmem:$0x8200] =	vst v63  }
0xba: {  	_ = 	snop  }
0xbb: {  	[tilespmem:s26], [sflag:$0x1] =	stream.indirect_vreg.gather [hbm4b:s1+s3], $0x80, v3, vm0, $0xb8;
	[tilespmem:$0x8200] =	vst v63  }
0xbc: {  	_ =	swait.ge [sflag:s28], $0x8000  }
0xbd: {  	[sflag:s28] =	ssyncset.done $0x0  }
0xbe: {  	[sflag:s28] =	ssyncadd.s32 $0xFFFF8000  }
0xbf: {  	[hbm4b:s6+s3] =	stream.linear.scatter [tilespmem:s11], [sflag:$0x2], $0x8000, $0x38;
	[tilespmem:$0x8200] =	vst v63  }
0xc0: {  	_ =	swait.ge [sflag:s10], $0x8000  }
0xc1: {  	[sflag:s10] =	ssyncset.done $0x0  }
0xc2: {  	[sflag:s10] =	ssyncadd.s32 $0xFFFF8000  }
0xc3: {  	v3 =	vld [tilespmem:$0x100];
	_ =	sdelay $0x4  }
0xc4: {  	v48 =	vshll.u32 v3, $0x1  }
0xc5: {  	v3 =	vand.u32 $0x7, v3;
	v4 =	vand.u32 $0xFFFFFFF0, v48  }
0xc6: {  	v3 =	vor.u32 v3, v4  }
0xc7: {  	v4 =	vperm.xlane v3, v0;
	_ =	sdelay $0x1  }
0xc8: {  	v3 =	vperm.xlane v3, v2;
	v4 =	vadd.s32 v1, v4;
	_ =	sdelay $0x1  }
0xc9: {  	v3 =	vadd.s32 v1, v3;
	_ =	sdelay $0x2  }
0xca: {  	[tilespmem:s11], [sflag:$0x1] =	stream.indirect_vreg.gather [hbm4b:s1+s3], $0x80, v4, vm0, $0xb8;
	[tilespmem:$0x8200] =	vst v63  }
0xcb: {  	_ = 	snop  }
0xcc: {  	[tilespmem:s12], [sflag:$0x1] =	stream.indirect_vreg.gather [hbm4b:s1+s3], $0x80, v3, vm0, $0xb8;
	[tilespmem:$0x8200] =	vst v63  }
0xcd: {  	v3 =	vld [tilespmem:$0x110];
	_ =	sdelay $0x4  }
0xce: {  	v49 =	vshll.u32 v3, $0x1  }
0xcf: {  	v3 =	vand.u32 $0x7, v3;
	v4 =	vand.u32 $0xFFFFFFF0, v49  }
0xd0: {  	v3 =	vor.u32 v3, v4  }
0xd1: {  	v4 =	vperm.xlane v3, v0;
	_ =	sdelay $0x1  }
0xd2: {  	v3 =	vperm.xlane v3, v2;
	v4 =	vadd.s32 v1, v4;
	_ =	sdelay $0x1  }
0xd3: {  	v3 =	vadd.s32 v1, v3;
	_ =	sdelay $0x2  }
0xd4: {  	[tilespmem:s13], [sflag:$0x1] =	stream.indirect_vreg.gather [hbm4b:s1+s3], $0x80, v4, vm0, $0xb8;
	[tilespmem:$0x8200] =	vst v63  }
0xd5: {  	_ = 	snop  }
0xd6: {  	[tilespmem:s14], [sflag:$0x1] =	stream.indirect_vreg.gather [hbm4b:s1+s3], $0x80, v3, vm0, $0xb8;
	[tilespmem:$0x8200] =	vst v63  }
0xd7: {  	v3 =	vld [tilespmem:$0x120];
	_ =	sdelay $0x4  }
0xd8: {  	v50 =	vshll.u32 v3, $0x1  }
0xd9: {  	v3 =	vand.u32 $0x7, v3;
	v4 =	vand.u32 $0xFFFFFFF0, v50  }
0xda: {  	v3 =	vor.u32 v3, v4  }
0xdb: {  	v4 =	vperm.xlane v3, v0;
	_ =	sdelay $0x1  }
0xdc: {  	v3 =	vperm.xlane v3, v2;
	v4 =	vadd.s32 v1, v4;
	_ =	sdelay $0x1  }
0xdd: {  	v3 =	vadd.s32 v1, v3;
	_ =	sdelay $0x2  }
0xde: {  	[tilespmem:s15], [sflag:$0x1] =	stream.indirect_vreg.gather [hbm4b:s1+s3], $0x80, v4, vm0, $0xb8;
	[tilespmem:$0x8200] =	vst v63  }
0xdf: {  	_ = 	snop  }
0xe0: {  	[tilespmem:s16], [sflag:$0x1] =	stream.indirect_vreg.gather [hbm4b:s1+s3], $0x80, v3, vm0, $0xb8;
	[tilespmem:$0x8200] =	vst v63  }
0xe1: {  	v3 =	vld [tilespmem:$0x130];
	_ =	sdelay $0x4  }
0xe2: {  	v51 =	vshll.u32 v3, $0x1  }
0xe3: {  	v3 =	vand.u32 $0x7, v3;
	v4 =	vand.u32 $0xFFFFFFF0, v51  }
0xe4: {  	v3 =	vor.u32 v3, v4  }
0xe5: {  	v4 =	vperm.xlane v3, v0;
	_ =	sdelay $0x1  }
0xe6: {  	v3 =	vperm.xlane v3, v2;
	v4 =	vadd.s32 v1, v4;
	_ =	sdelay $0x1  }
0xe7: {  	v3 =	vadd.s32 v1, v3;
	_ =	sdelay $0x2  }
0xe8: {  	[tilespmem:s17], [sflag:$0x1] =	stream.indirect_vreg.gather [hbm4b:s1+s3], $0x80, v4, vm0, $0xb8;
	[tilespmem:$0x8200] =	vst v63  }
0xe9: {  	_ = 	snop  }
0xea: {  	[tilespmem:s18], [sflag:$0x1] =	stream.indirect_vreg.gather [hbm4b:s1+s3], $0x80, v3, vm0, $0xb8;
	[tilespmem:$0x8200] =	vst v63  }
0xeb: {  	v3 =	vld [tilespmem:$0x140];
	_ =	sdelay $0x4  }
0xec: {  	v52 =	vshll.u32 v3, $0x1  }
0xed: {  	v3 =	vand.u32 $0x7, v3;
	v4 =	vand.u32 $0xFFFFFFF0, v52  }
0xee: {  	v3 =	vor.u32 v3, v4  }
0xef: {  	v4 =	vperm.xlane v3, v0;
	_ =	sdelay $0x1  }
0xf0: {  	v3 =	vperm.xlane v3, v2;
	v4 =	vadd.s32 v1, v4;
	_ =	sdelay $0x1  }
0xf1: {  	v3 =	vadd.s32 v1, v3;
	_ =	sdelay $0x2  }
0xf2: {  	[tilespmem:s19], [sflag:$0x1] =	stream.indirect_vreg.gather [hbm4b:s1+s3], $0x80, v4, vm0, $0xb8;
	[tilespmem:$0x8200] =	vst v63  }
0xf3: {  	_ = 	snop  }
0xf4: {  	[tilespmem:s20], [sflag:$0x1] =	stream.indirect_vreg.gather [hbm4b:s1+s3], $0x80, v3, vm0, $0xb8;
	[tilespmem:$0x8200] =	vst v63  }
0xf5: {  	v3 =	vld [tilespmem:$0x150];
	_ =	sdelay $0x4  }
0xf6: {  	v53 =	vshll.u32 v3, $0x1  }
0xf7: {  	v3 =	vand.u32 $0x7, v3;
	v4 =	vand.u32 $0xFFFFFFF0, v53  }
0xf8: {  	v3 =	vor.u32 v3, v4  }
0xf9: {  	v4 =	vperm.xlane v3, v0;
	_ =	sdelay $0x1  }
0xfa: {  	v3 =	vperm.xlane v3, v2;
	v4 =	vadd.s32 v1, v4;
	_ =	sdelay $0x1  }
0xfb: {  	v3 =	vadd.s32 v1, v3;
	_ =	sdelay $0x2  }
0xfc: {  	[tilespmem:s21], [sflag:$0x1] =	stream.indirect_vreg.gather [hbm4b:s1+s3], $0x80, v4, vm0, $0xb8;
	[tilespmem:$0x8200] =	vst v63  }
0xfd: {  	_ = 	snop  }
0xfe: {  	[tilespmem:s22], [sflag:$0x1] =	stream.indirect_vreg.gather [hbm4b:s1+s3], $0x80, v3, vm0, $0xb8;
	[tilespmem:$0x8200] =	vst v63  }
0xff: {  	v3 =	vld [tilespmem:$0x160];
	_ =	sdelay $0x4  }
0x100: {  	v54 =	vshll.u32 v3, $0x1  }
0x101: {  	v3 =	vand.u32 $0x7, v3;
	v4 =	vand.u32 $0xFFFFFFF0, v54  }
0x102: {  	v3 =	vor.u32 v3, v4  }
0x103: {  	v4 =	vperm.xlane v3, v0;
	_ =	sdelay $0x1  }
0x104: {  	v3 =	vperm.xlane v3, v2;
	v4 =	vadd.s32 v1, v4;
	_ =	sdelay $0x1  }
0x105: {  	v3 =	vadd.s32 v1, v3;
	_ =	sdelay $0x2  }
0x106: {  	[tilespmem:s23], [sflag:$0x1] =	stream.indirect_vreg.gather [hbm4b:s1+s3], $0x80, v4, vm0, $0xb8;
	[tilespmem:$0x8200] =	vst v63  }
0x107: {  	_ = 	snop  }
0x108: {  	[tilespmem:s24], [sflag:$0x1] =	stream.indirect_vreg.gather [hbm4b:s1+s3], $0x80, v3, vm0, $0xb8;
	[tilespmem:$0x8200] =	vst v63  }
0x109: {  	v3 =	vld [tilespmem:$0x170];
	_ =	sdelay $0x4  }
0x10a: {  	v55 =	vshll.u32 v3, $0x1  }
0x10b: {  	v3 =	vand.u32 $0x7, v3;
	v4 =	vand.u32 $0xFFFFFFF0, v55  }
0x10c: {  	v3 =	vor.u32 v3, v4  }
0x10d: {  	v4 =	vperm.xlane v3, v0;
	_ =	sdelay $0x1  }
0x10e: {  	v3 =	vperm.xlane v3, v2;
	v4 =	vadd.s32 v1, v4;
	_ =	sdelay $0x1  }
0x10f: {  	v3 =	vadd.s32 v1, v3;
	_ =	sdelay $0x2  }
0x110: {  	[tilespmem:s25], [sflag:$0x1] =	stream.indirect_vreg.gather [hbm4b:s1+s3], $0x80, v4, vm0, $0xb8;
	[tilespmem:$0x8200] =	vst v63  }
0x111: {  	_ = 	snop  }
0x112: {  	[tilespmem:s26], [sflag:$0x1] =	stream.indirect_vreg.gather [hbm4b:s1+s3], $0x80, v3, vm0, $0xb8;
	[tilespmem:$0x8200] =	vst v63  }
0x113: {  	_ =	swait.ge [sflag:s28], $0x8000  }
0x114: {  	[sflag:s28] =	ssyncset.done $0x0  }
0x115: {  	[sflag:s28] =	ssyncadd.s32 $0xFFFF8000  }
0x116: {  	[hbm4b:s7+s3] =	stream.linear.scatter [tilespmem:s11], [sflag:$0x2], $0x8000, $0x38;
	[tilespmem:$0x8200] =	vst v63  }
0x117: {  	_ =	swait.ge [sflag:s10], $0x8000  }
0x118: {  	[sflag:s10] =	ssyncset.done $0x0  }
0x119: {  	[sflag:s10] =	ssyncadd.s32 $0xFFFF8000  }
0x11a: {  	v3 =	vld [tilespmem:$0x180];
	_ =	sdelay $0x4  }
0x11b: {  	v56 =	vshll.u32 v3, $0x1  }
0x11c: {  	v3 =	vand.u32 $0x7, v3;
	v4 =	vand.u32 $0xFFFFFFF0, v56  }
0x11d: {  	v3 =	vor.u32 v3, v4  }
0x11e: {  	v4 =	vperm.xlane v3, v0;
	_ =	sdelay $0x1  }
0x11f: {  	v3 =	vperm.xlane v3, v2;
	v4 =	vadd.s32 v1, v4;
	_ =	sdelay $0x1  }
0x120: {  	v3 =	vadd.s32 v1, v3;
	_ =	sdelay $0x2  }
0x121: {  	[tilespmem:s11], [sflag:$0x1] =	stream.indirect_vreg.gather [hbm4b:s1+s3], $0x80, v4, vm0, $0xb8;
	[tilespmem:$0x8200] =	vst v63  }
0x122: {  	_ = 	snop  }
0x123: {  	[tilespmem:s12], [sflag:$0x1] =	stream.indirect_vreg.gather [hbm4b:s1+s3], $0x80, v3, vm0, $0xb8;
	[tilespmem:$0x8200] =	vst v63  }
0x124: {  	v3 =	vld [tilespmem:$0x190];
	_ =	sdelay $0x4  }
0x125: {  	v57 =	vshll.u32 v3, $0x1  }
0x126: {  	v3 =	vand.u32 $0x7, v3;
	v4 =	vand.u32 $0xFFFFFFF0, v57  }
0x127: {  	v3 =	vor.u32 v3, v4  }
0x128: {  	v4 =	vperm.xlane v3, v0;
	_ =	sdelay $0x1  }
0x129: {  	v3 =	vperm.xlane v3, v2;
	v4 =	vadd.s32 v1, v4;
	_ =	sdelay $0x1  }
0x12a: {  	v3 =	vadd.s32 v1, v3;
	_ =	sdelay $0x2  }
0x12b: {  	[tilespmem:s13], [sflag:$0x1] =	stream.indirect_vreg.gather [hbm4b:s1+s3], $0x80, v4, vm0, $0xb8;
	[tilespmem:$0x8200] =	vst v63  }
0x12c: {  	_ = 	snop  }
0x12d: {  	[tilespmem:s14], [sflag:$0x1] =	stream.indirect_vreg.gather [hbm4b:s1+s3], $0x80, v3, vm0, $0xb8;
	[tilespmem:$0x8200] =	vst v63  }
0x12e: {  	v3 =	vld [tilespmem:$0x1A0];
	_ =	sdelay $0x4  }
0x12f: {  	v58 =	vshll.u32 v3, $0x1  }
0x130: {  	v3 =	vand.u32 $0x7, v3;
	v4 =	vand.u32 $0xFFFFFFF0, v58  }
0x131: {  	v3 =	vor.u32 v3, v4  }
0x132: {  	v4 =	vperm.xlane v3, v0;
	_ =	sdelay $0x1  }
0x133: {  	v3 =	vperm.xlane v3, v2;
	v4 =	vadd.s32 v1, v4;
	_ =	sdelay $0x1  }
0x134: {  	v3 =	vadd.s32 v1, v3;
	_ =	sdelay $0x2  }
0x135: {  	[tilespmem:s15], [sflag:$0x1] =	stream.indirect_vreg.gather [hbm4b:s1+s3], $0x80, v4, vm0, $0xb8;
	[tilespmem:$0x8200] =	vst v63  }
0x136: {  	_ = 	snop  }
0x137: {  	[tilespmem:s16], [sflag:$0x1] =	stream.indirect_vreg.gather [hbm4b:s1+s3], $0x80, v3, vm0, $0xb8;
	[tilespmem:$0x8200] =	vst v63  }
0x138: {  	v3 =	vld [tilespmem:$0x1B0];
	_ =	sdelay $0x4  }
0x139: {  	v59 =	vshll.u32 v3, $0x1  }
0x13a: {  	v3 =	vand.u32 $0x7, v3;
	v4 =	vand.u32 $0xFFFFFFF0, v59  }
0x13b: {  	v3 =	vor.u32 v3, v4  }
0x13c: {  	v4 =	vperm.xlane v3, v0;
	_ =	sdelay $0x1  }
0x13d: {  	v3 =	vperm.xlane v3, v2;
	v4 =	vadd.s32 v1, v4;
	_ =	sdelay $0x1  }
0x13e: {  	v3 =	vadd.s32 v1, v3;
	_ =	sdelay $0x2  }
0x13f: {  	[tilespmem:s17], [sflag:$0x1] =	stream.indirect_vreg.gather [hbm4b:s1+s3], $0x80, v4, vm0, $0xb8;
	[tilespmem:$0x8200] =	vst v63  }
0x140: {  	_ = 	snop  }
0x141: {  	[tilespmem:s18], [sflag:$0x1] =	stream.indirect_vreg.gather [hbm4b:s1+s3], $0x80, v3, vm0, $0xb8;
	[tilespmem:$0x8200] =	vst v63  }
0x142: {  	v3 =	vld [tilespmem:$0x1C0];
	_ =	sdelay $0x4  }
0x143: {  	v60 =	vshll.u32 v3, $0x1  }
0x144: {  	v3 =	vand.u32 $0x7, v3;
	v4 =	vand.u32 $0xFFFFFFF0, v60  }
0x145: {  	v3 =	vor.u32 v3, v4  }
0x146: {  	v4 =	vperm.xlane v3, v0;
	_ =	sdelay $0x1  }
0x147: {  	v3 =	vperm.xlane v3, v2;
	v4 =	vadd.s32 v1, v4;
	_ =	sdelay $0x1  }
0x148: {  	v3 =	vadd.s32 v1, v3;
	_ =	sdelay $0x2  }
0x149: {  	[tilespmem:s19], [sflag:$0x1] =	stream.indirect_vreg.gather [hbm4b:s1+s3], $0x80, v4, vm0, $0xb8;
	[tilespmem:$0x8200] =	vst v63  }
0x14a: {  	_ = 	snop  }
0x14b: {  	[tilespmem:s20], [sflag:$0x1] =	stream.indirect_vreg.gather [hbm4b:s1+s3], $0x80, v3, vm0, $0xb8;
	[tilespmem:$0x8200] =	vst v63  }
0x14c: {  	v3 =	vld [tilespmem:$0x1D0];
	_ =	sdelay $0x4  }
0x14d: {  	v61 =	vshll.u32 v3, $0x1  }
0x14e: {  	v3 =	vand.u32 $0x7, v3;
	v4 =	vand.u32 $0xFFFFFFF0, v61  }
0x14f: {  	v3 =	vor.u32 v3, v4  }
0x150: {  	v4 =	vperm.xlane v3, v0;
	_ =	sdelay $0x1  }
0x151: {  	v3 =	vperm.xlane v3, v2;
	v4 =	vadd.s32 v1, v4;
	_ =	sdelay $0x1  }
0x152: {  	v3 =	vadd.s32 v1, v3;
	_ =	sdelay $0x2  }
0x153: {  	[tilespmem:s21], [sflag:$0x1] =	stream.indirect_vreg.gather [hbm4b:s1+s3], $0x80, v4, vm0, $0xb8;
	[tilespmem:$0x8200] =	vst v63  }
0x154: {  	_ = 	snop  }
0x155: {  	[tilespmem:s22], [sflag:$0x1] =	stream.indirect_vreg.gather [hbm4b:s1+s3], $0x80, v3, vm0, $0xb8;
	[tilespmem:$0x8200] =	vst v63  }
0x156: {  	v3 =	vld [tilespmem:$0x1E0];
	_ =	sdelay $0x4  }
0x157: {  	v62 =	vshll.u32 v3, $0x1  }
0x158: {  	v3 =	vand.u32 $0x7, v3;
	v4 =	vand.u32 $0xFFFFFFF0, v62  }
0x159: {  	v3 =	vor.u32 v3, v4  }
0x15a: {  	v4 =	vperm.xlane v3, v0;
	_ =	sdelay $0x1  }
0x15b: {  	v3 =	vperm.xlane v3, v2;
	v4 =	vadd.s32 v1, v4;
	_ =	sdelay $0x1  }
0x15c: {  	v3 =	vadd.s32 v1, v3;
	_ =	sdelay $0x2  }
0x15d: {  	[tilespmem:s23], [sflag:$0x1] =	stream.indirect_vreg.gather [hbm4b:s1+s3], $0x80, v4, vm0, $0xb8;
	[tilespmem:$0x8200] =	vst v63  }
0x15e: {  	_ = 	snop  }
0x15f: {  	[tilespmem:s24], [sflag:$0x1] =	stream.indirect_vreg.gather [hbm4b:s1+s3], $0x80, v3, vm0, $0xb8;
	[tilespmem:$0x8200] =	vst v63  }
0x160: {  	v3 =	vld [tilespmem:$0x1F0];
	_ =	sdelay $0x4  }
0x161: {  	v63 =	vshll.u32 v3, $0x1  }
0x162: {  	v3 =	vand.u32 $0x7, v3;
	v4 =	vand.u32 $0xFFFFFFF0, v63  }
0x163: {  	v3 =	vor.u32 v3, v4  }
0x164: {  	v4 =	vperm.xlane v3, v0;
	_ =	sdelay $0x1  }
0x165: {  	v3 =	vperm.xlane v3, v2;
	v4 =	vadd.s32 v1, v4;
	_ =	sdelay $0x1  }
0x166: {  	v3 =	vadd.s32 v1, v3;
	_ =	sdelay $0x2  }
0x167: {  	[tilespmem:s25], [sflag:$0x1] =	stream.indirect_vreg.gather [hbm4b:s1+s3], $0x80, v4, vm0, $0xb8;
	[tilespmem:$0x8200] =	vst v63  }
0x168: {  	_ = 	snop  }
0x169: {  	[tilespmem:s26], [sflag:$0x1] =	stream.indirect_vreg.gather [hbm4b:s1+s3], $0x80, v3, vm0, $0xb8;
	[tilespmem:$0x8200] =	vst v63  }
0x16a: {  	_ =	swait.ge [sflag:s28], $0x8000  }
0x16b: {  	p0 =	sne.s32 s9, $0x1;
	[sflag:s28] =	ssyncset.done $0x0  }
.Ltmp0:
0x16c: {  	[sflag:s28] =	ssyncadd.s32 $0xFFFF8000;
	(pc) =	sbr.rel @p0 .LBB2_1-.Ltmp0, $4  }
0x16d: {  	[hbm4b:s8+s3] =	stream.linear.scatter [tilespmem:s11], [sflag:$0x2], $0x8000, $0x38;
	[tilespmem:$0x8200] =	vst v63  }
0x16e: {  	_ =	swait.ge [sflag:s10], $0x8000  }
0x16f: {  	[sflag:s10] =	ssyncset.done $0x0  }
0x170: {  	s9 =	sadd.s32 $0xFFFFFFFF, s9;
	[sflag:s10] =	ssyncadd.s32 $0xFFFF8000  }
0x171: {  	_ =	sfence.sel $0x180000  }
0x172: {  	[bflag:$0x0] =	sbarrier.arrive $0xFFFF  }
0x173: {  	p0 =	sne.s32 s2, $0x0;
	_ =	strace $0x90000047  }
0x174: {  	s0 =	sadd.s32 @!p0 $0x100000, s0;
	[bflag:$0x2] =	sbarrier.arrive $0xFFFF  }
0x175: {  	[sflag:s0] =	ssyncadd.tile.s32 @!p0 $0x1;
	_ =	shalt  }
.Lfunc_end2:
_tile_overlayer_lowered:
.L_overlay_start_2:
0x176: {  	(tag) =	ssettag $0x2  }
0x177: {  	s0 =	rddreg [dreg:$0x0];
	s2 =	stileid.u32  }
0x178: {  	s1 =	rddreg [dreg:$0x1];
	p0 =	sne.s32 s2, $0x0  }
0x179: {  	s3 =	rddreg [dreg:$0x2];
	[bflag:$0x3] =	sbarrier.arrive $0xFFFF;
	s2 =	simm.s32 @!p0 $0x1C02  }
0x17a: {  	[timem:s3], [sflag:s2] =	dma.local @!p0 [hbm:s0], s1  }
0x17b: {  	s0 =	simm.s32 @!p0 $0x2  }
0x17c: {  	_ =	swait.ge @!p0 [sflag:s0], s1  }
0x17d: {  	s1 =	ssub.s32 @!p0 $0x0, s1;
	[sflag:s0] =	ssyncset.done @!p0 $0x0  }
0x17e: {  	[sflag:s0] =	ssyncadd.s32 @!p0 s1  }
0x17f: {  	[bflag:$0x3] =	sbarrier.arrive $0xFFFF  }
0x180: {  	_ =	shalt  }

</sc_bundles>
